<compile_context>
chip_gen: v7x
topology: tpu7x:2x2x1
jax: 0.10.2.dev20260603
libtpu: 0.0.44.dev20260713+nightly
codegen_flags: <defaults>
</compile_context>

<pallas_src>
import functools

import jax
import jax.numpy as jnp
from jax import lax
from jax.experimental import pallas as pl
from jax.experimental.pallas import tpu as pltpu
from jax.experimental.pallas import tpu_sc as plsc

N = 10000
E = 320000
D = 128

NC = 2
NS = 16
NW = NC * NS
CHUNK = 128
NCHUNK = 80
SUB = 64
EPW = NCHUNK * CHUNK
EPAD = NW * EPW
NPAD = 10240
RPT = NPAD // NS
HALF = NPAD // 2
HR = HALF // 8

_mesh = plsc.VectorSubcoreMesh(core_axis_name="c", subcore_axis_name="s")


@functools.partial(
    pl.kernel,
    out_type=jax.ShapeDtypeStruct((NC, NPAD, D), jnp.float32),
    mesh=_mesh,
    compiler_params=pltpu.CompilerParams(needs_layout_passes=False),
    scratch_types=(
        pltpu.VMEM((2, CHUNK), jnp.int32),
        pltpu.VMEM((NCHUNK, CHUNK), jnp.int32),
        pltpu.VMEM((CHUNK, D), jnp.float32),
        pltpu.VMEM((CHUNK, D), jnp.float32),
        pltpu.VMEM_SHARED((NPAD, D), jnp.float32),
        pltpu.SemaphoreType.DMA,
        pltpu.SemaphoreType.DMA,
    ),
)
def _sc_aggregate(x_hbm, src_hbm, dst_hbm, agg_out,
                  sidx, dstb, rows_a, rows_b, agg_sh, sem_g, sem_i):
    c = lax.axis_index("c")
    s = lax.axis_index("s")
    wid = c * NS + s

    zero16 = jnp.zeros((16,), jnp.float32)

    pltpu.async_copy(dst_hbm.at[wid], dstb, sem_i)

    def zrow(i, _):
        def inner(j, _):
            rows_a[i, pl.ds(j * 16, 16)] = zero16
            return 0
        lax.fori_loop(0, D // 16, inner, 0)
        return 0
    lax.fori_loop(0, CHUNK, zrow, 0)

    rbase = s * RPT
    def zshared(k, _):
        pltpu.sync_copy(rows_a, agg_sh.at[pl.ds(rbase + k * CHUNK, CHUNK)])
        return 0
    lax.fori_loop(0, RPT // CHUNK, zshared, 0)

    pltpu.make_async_copy(dst_hbm.at[wid], dstb, sem_i).wait()
    plsc.subcore_barrier()

    pltpu.async_copy(src_hbm.at[wid, 0], sidx.at[0], sem_i)
    pltpu.make_async_copy(src_hbm.at[wid, 0], sidx.at[0], sem_i).wait()
    pltpu.async_copy(x_hbm.at[sidx.at[0]], rows_a, sem_g)
    pltpu.async_copy(src_hbm.at[wid, 1], sidx.at[1], sem_i)

    def body(i, _):
        par = lax.rem(i, 2)
        nxt = 1 - par

        @pl.when(i + 1 < NCHUNK)
        def _():
            pltpu.make_async_copy(src_hbm.at[wid, 0], sidx.at[0], sem_i).wait()

            @pl.when(nxt == 0)
            def _():
                pltpu.async_copy(x_hbm.at[sidx.at[0]], rows_a, sem_g)

            @pl.when(nxt == 1)
            def _():
                pltpu.async_copy(x_hbm.at[sidx.at[1]], rows_b, sem_g)

        pltpu.make_async_copy(x_hbm.at[sidx.at[0]], rows_a, sem_g).wait()

        @pl.when(i + 2 < NCHUNK)
        def _():
            pltpu.async_copy(src_hbm.at[wid, i + 2], sidx.at[par], sem_i)

        @pl.when(par == 0)
        def _():
            pltpu.sync_copy(rows_a, agg_sh.at[dstb.at[i]], add=True)

        @pl.when(par == 1)
        def _():
            pltpu.sync_copy(rows_b, agg_sh.at[dstb.at[i]], add=True)
        return 0
    lax.fori_loop(0, NCHUNK, body, 0)

    plsc.subcore_barrier()

    pltpu.sync_copy(agg_sh.at[pl.ds(rbase, RPT)],
                    agg_out.at[c, pl.ds(rbase, RPT)])


@functools.partial(
    pl.kernel,
    out_type=jax.ShapeDtypeStruct((NC, NS, 2, HR, D), jnp.float32),
    mesh=_mesh,
    compiler_params=pltpu.CompilerParams(needs_layout_passes=False),
    scratch_types=(
        pltpu.VMEM((NCHUNK, CHUNK), jnp.int32),
        pltpu.VMEM((HR, D), jnp.float32),
    ),
)
def _sc_degree(dst_hbm, deg_out, dstb, hist):
    c = lax.axis_index("c")
    s = lax.axis_index("s")
    wid = c * NS + s

    zero16 = jnp.zeros((16,), jnp.float32)
    one16 = jnp.ones((16,), jnp.float32)
    lane = lax.iota(jnp.int32, 16)

    pltpu.sync_copy(dst_hbm.at[wid], dstb)

    for h in range(2):
        def zrow(i, _):
            def inner(j, _):
                hist[i, pl.ds(j * 16, 16)] = zero16
                return 0
            lax.fori_loop(0, D // 16, inner, 0)
            return 0
        lax.fori_loop(0, HR, zrow, 0)

        def body(ci, _):
            for g in range(CHUNK // 16):
                d16 = dstb[ci, pl.ds(g * 16, 16)]
                loc = d16 - h * HALF
                m = (loc >= 0) & (loc < HALF)
                locc = jnp.clip(loc, 0, HALF - 1)
                r = lax.shift_right_logical(locc, 3)
                col = lax.shift_left(jnp.bitwise_and(locc, 7), 4) + lane
                plsc.addupdate_scatter(hist, [r, col], one16, mask=m)
            return 0
        lax.fori_loop(0, NCHUNK, body, 0)

        pltpu.sync_copy(hist, deg_out.at[c, s, h])


BLK = 320
DR = BLK // 8


def _tc_layer_body(p_ref, d_ref, x_ref, wl_ref, b_ref, wr_ref, o_ref, *, last):
    a = p_ref[0] + p_ref[1]
    dblk = jnp.sum(d_ref[...], axis=(0, 1, 2))
    deg = jnp.sum(dblk.reshape(DR, 8, 16), axis=2).reshape(BLK, 1)
    mean = a / jnp.maximum(deg, 1.0)
    out = (jnp.dot(mean, wl_ref[...], preferred_element_type=jnp.float32)
           + b_ref[...]
           + jnp.dot(x_ref[...], wr_ref[...], preferred_element_type=jnp.float32))
    nrm = jnp.sqrt(jnp.sum(out * out, axis=1, keepdims=True))
    out = out / jnp.maximum(nrm, 1e-12)
    if last:
        m = jnp.max(out, axis=1, keepdims=True)
        t = out - m
        lse = jnp.log(jnp.sum(jnp.exp(t), axis=1, keepdims=True))
        o_ref[...] = t - lse
    else:
        o_ref[...] = jnp.maximum(out, 0.0)


def _tc_layer(p, degb, x, wl_t, b, wr_t, last):
    body = functools.partial(_tc_layer_body, last=last)
    return pl.pallas_call(
        body,
        grid=(NPAD // BLK,),
        in_specs=[
            pl.BlockSpec((NC, BLK, D), lambda i: (0, i, 0)),
            pl.BlockSpec((NC, NS, 1, DR, D), lambda i: (0, 0, i // NS, i % NS, 0)),
            pl.BlockSpec((BLK, D), lambda i: (i, 0)),
            pl.BlockSpec((D, D), lambda i: (0, 0)),
            pl.BlockSpec((1, D), lambda i: (0, 0)),
            pl.BlockSpec((D, D), lambda i: (0, 0)),
        ],
        out_specs=pl.BlockSpec((BLK, D), lambda i: (i, 0)),
        out_shape=jax.ShapeDtypeStruct((NPAD, D), jnp.float32),
    )(p, degb, x, wl_t, b, wr_t)


def kernel(x, edge_index, W1_l, b1_l, W1_r, W2_l, b2_l, W2_r):
    pad = EPAD - E
    pad_src = jnp.arange(pad, dtype=jnp.int32) % N
    src3 = jnp.concatenate([edge_index[0], pad_src]).reshape(NW, NCHUNK, CHUNK)
    pad_dst = N + jnp.arange(pad, dtype=jnp.int32) % (NPAD - N)
    dst3 = jnp.concatenate([edge_index[1], pad_dst]).reshape(NW, NCHUNK, CHUNK)
    xp = jnp.pad(x, ((0, NPAD - N), (0, 0)))

    agg1 = _sc_aggregate(xp, src3, dst3)
    degb = _sc_degree(dst3)
    h = _tc_layer(agg1, degb, xp, W1_l.T, b1_l.reshape(1, D), W1_r.T, last=False)

    agg2 = _sc_aggregate(h, src3, dst3)
    out = _tc_layer(agg2, degb, h, W2_l.T, b2_l.reshape(1, D), W2_r.T, last=True)
    return out[:N]

# --- scband reference (transcript-rebuilt; emitter-appended) ---
"""Pipeline reference for scband-graph-sage-22411139350784 (READ-ONLY COPY).

The authoritative reference and input builder live on the scoring server;
editing this copy changes nothing except your own understanding.
"""

import jax, jax.numpy as jnp
import numpy as np

N = 10000
E = 320000
D_IN = 128
HID = 128
D_OUT = 128


def _l2_normalize(x, eps=1e-12):
    norm = jnp.linalg.norm(x, ord=2, axis=-1, keepdims=True)
    return x / jnp.maximum(norm, eps)


def _sage_conv(x, edge_index, W_l, b_l, W_r):
    # PyG SAGEConv, aggr='mean', normalize=True
    src = edge_index[0]
    dst = edge_index[1]
    msgs = jnp.take(x, src, axis=0)                      # gather x_j
    agg = jax.ops.segment_sum(msgs, dst, num_segments=N)  # scatter-add
    deg = jax.ops.segment_sum(jnp.ones((E,), dtype=x.dtype), dst, num_segments=N)
    mean = agg / jnp.clip(deg, 1.0)[:, None]
    out = mean @ W_l.T + b_l + x @ W_r.T
    return _l2_normalize(out)


def setup_inputs(seed: int = 0) -> dict:
    key = jax.random.key(seed)
    ks = jax.random.split(key, 8)
    x = jax.random.normal(ks[0], (N, D_IN), dtype=jnp.float32)
    edge_index = jax.random.randint(ks[1], (2, E), 0, N, dtype=jnp.int32)
    s1 = 1.0 / np.sqrt(D_IN)
    s2 = 1.0 / np.sqrt(HID)
    W1_l = jax.random.uniform(ks[2], (HID, D_IN), jnp.float32, -s1, s1)
    b1_l = jnp.zeros((HID,), jnp.float32)
    W1_r = jax.random.uniform(ks[3], (HID, D_IN), jnp.float32, -s1, s1)
    W2_l = jax.random.uniform(ks[4], (D_OUT, HID), jnp.float32, -s2, s2)
    b2_l = jnp.zeros((D_OUT,), jnp.float32)
    W2_r = jax.random.uniform(ks[5], (D_OUT, HID), jnp.float32, -s2, s2)
    return {"x": x, "edge_index": edge_index, "W1_l": W1_l, "b1_l": b1_l, "W1_r": W1_r, "W2_l": W2_l, "b2_l": b2_l, "W2_r": W2_r}


def reference(x, edge_index, W1_l, b1_l, W1_r, W2_l, b2_l, W2_r):
    # dropout(p=0.6) is identity in eval mode
    h = _sage_conv(x, edge_index, W1_l, b1_l, W1_r)
    h = jax.nn.relu(h)
    h = _sage_conv(h, edge_index, W2_l, b2_l, W2_r)
    return jax.nn.log_softmax(h, axis=1)

if __name__ == "__main__":
    import jax
    _d = setup_inputs()
    print(jax.jit(kernel)(*tuple(_d.values())))

</pallas_src>

<mosaic_0001>
#map = affine_map<(d0, d1) -> (0, 0)>
#map1 = affine_map<(d0, d1) -> (0, 0, 0)>
module attributes {stable_mosaic.version = 14 : i64} {
  func.func @_sc_aggregate(%arg0: i32, %arg1: i32, %arg2: memref<10240x128xf32, #tpu.memory_space<hbm>>, %arg3: memref<32x80x128xi32, #tpu.memory_space<hbm>>, %arg4: memref<32x80x128xi32, #tpu.memory_space<hbm>>, %arg5: memref<2x10240x128xf32, #tpu.memory_space<hbm>>, %arg6: memref<2x128xi32, #tpu.memory_space<vmem>>, %arg7: memref<80x128xi32, #tpu.memory_space<vmem>>, %arg8: memref<128x128xf32, #tpu.memory_space<vmem>>, %arg9: memref<128x128xf32, #tpu.memory_space<vmem>>, %arg10: memref<10240x128xf32, #tpu.memory_space<vmem_shared>>, %arg11: memref<!tpu.dma_semaphore, #tpu.memory_space<semaphore_mem>>, %arg12: memref<!tpu.dma_semaphore, #tpu.memory_space<semaphore_mem>>) attributes {dimension_semantics = [#tpu.dimension_semantics<core_parallel>, #tpu.dimension_semantics<subcore_parallel>], iteration_bounds = array<i64: 2, 16>, scalar_prefetch = 0 : i64, scratch_operands = 7 : i64, tpu.core_type = #tpu.core_type<sc_vector_subcore>, window_params = [{transform_indices = #map}, {transform_indices = #map1}, {transform_indices = #map1}, {transform_indices = #map1}]} {
    %mul3A = arith.constant 16 : i32
    %mul3A_0 = arith.muli %arg0, %mul3A : i32
    %add3A = arith.addi %mul3A_0, %arg1 : i32
    %broadcast_in_dim3A = arith.constant 0.000000e+00 : f32
    %broadcast_in_dim3A_1 = vector.broadcast %broadcast_in_dim3A : f32 to vector<16xf32>
    %dma_start3A = arith.constant 0 : i32
    %dma_start3A_2 = arith.constant 0 : i32
    %dma_start3A_3 = tpu.memref_slice %arg4[%add3A, %dma_start3A, %dma_start3A_2] : memref<32x80x128xi32, #tpu.memory_space<hbm>> -> memref<1x80x128xi32, #tpu.memory_space<hbm>>
    %dma_start3A_4 = tpu.memref_squeeze %dma_start3A_3 : memref<1x80x128xi32, #tpu.memory_space<hbm>> -> memref<80x128xi32, #tpu.memory_space<hbm>>
    %dma_start3A_5 = arith.constant 0 : i32
    %dma_start3A_6 = arith.constant 0 : i32
    %dma_start3A_7 = tpu.memref_slice %arg4[%add3A, %dma_start3A_5, %dma_start3A_6] : memref<32x80x128xi32, #tpu.memory_space<hbm>> -> memref<1x80x128xi32, #tpu.memory_space<hbm>>
    %dma_start3A_8 = tpu.memref_squeeze %dma_start3A_7 : memref<1x80x128xi32, #tpu.memory_space<hbm>> -> memref<80x128xi32, #tpu.memory_space<hbm>>
    tpu.enqueue_dma source(%dma_start3A_8 : memref<80x128xi32, #tpu.memory_space<hbm>>) target(%arg7 : memref<80x128xi32, #tpu.memory_space<vmem>>) target_semaphore(%arg12 : memref<!tpu.dma_semaphore, #tpu.memory_space<semaphore_mem>>)
    %scan3A = arith.constant 0 : i32
    %scan3A_9 = arith.constant 0 : i32
    %scan3A_10 = arith.constant 128 : i32
    %scan3A_11 = arith.addi %scan3A_9, %scan3A_10 : i32
    %scan3A_12 = arith.constant 1 : i32
    %scan3A_13 = scf.for %scan3A_88 = %scan3A_9 to %scan3A_11 step %scan3A_12 iter_args(%scan3A_89 = %scan3A) -> (i32)  : i32 {
      %scan3A_90 = arith.constant 0 : i32
      %scan3A_91 = arith.constant 0 : i32
      %scan3A_92 = arith.constant 8 : i32
      %scan3A_93 = arith.addi %scan3A_91, %scan3A_92 : i32
      %scan3A_94 = arith.constant 1 : i32
      %scan3A_95 = scf.for %scan3A_98 = %scan3A_91 to %scan3A_93 step %scan3A_94 iter_args(%scan3A_99 = %scan3A_90) -> (i32)  : i32 {
        %mul3A_100 = arith.constant 16 : i32
        %mul3A_101 = arith.muli %scan3A_98, %mul3A_100 : i32
        %swap3A = arith.index_cast %scan3A_88 : i32 to index
        %swap3A_102 = arith.index_cast %mul3A_101 : i32 to index
        %swap3A_103 = tpu.vector_load %arg8[%swap3A, %swap3A_102] {strides = array<i32>} : memref<128x128xf32, #tpu.memory_space<vmem>>, vector<16xf32>,
        tpu.vector_store %arg8[%swap3A, %swap3A_102], %broadcast_in_dim3A_1 {strides = array<i32>} : memref<128x128xf32, #tpu.memory_space<vmem>>, vector<16xf32>,
        %scan3A_104 = arith.constant 0 : i32
        scf.yield %scan3A_104 : i32
      }
      %scan3A_96 = arith.constant 8 : i32
      %scan3A_97 = arith.constant 0 : i32
      scf.yield %scan3A_97 : i32
    }
    %scan3A_14 = arith.constant 128 : i32
    %mul3A_15 = arith.constant 640 : i32
    %mul3A_16 = arith.muli %arg1, %mul3A_15 : i32
    %scan3A_17 = arith.constant 0 : i32
    %scan3A_18 = arith.constant 0 : i32
    %scan3A_19 = arith.constant 5 : i32
    %scan3A_20 = arith.addi %scan3A_18, %scan3A_19 : i32
    %scan3A_21 = arith.constant 1 : i32
    %scan3A_22 = scf.for %scan3A_88 = %scan3A_18 to %scan3A_20 step %scan3A_21 iter_args(%scan3A_89 = %scan3A_17) -> (i32)  : i32 {
      %mul3A_90 = arith.constant 128 : i32
      %mul3A_91 = arith.muli %scan3A_88, %mul3A_90 : i32
      %add3A_92 = arith.addi %mul3A_16, %mul3A_91 : i32
      "tpu.region"() ({
        %run_scoped3A = tpu.sem_alloc : memref<!tpu.dma_semaphore, #tpu.memory_space<semaphore_mem>>
        %dma_start3A_94 = arith.constant 0 : i32
        %dma_start3A_95 = tpu.memref_slice %arg10[%add3A_92, %dma_start3A_94] : memref<10240x128xf32, #tpu.memory_space<vmem_shared>> -> memref<128x128xf32, #tpu.memory_space<vmem_shared>>
        %dma_start3A_96 = arith.constant 0 : i32
        %dma_start3A_97 = tpu.memref_slice %arg10[%add3A_92, %dma_start3A_96] : memref<10240x128xf32, #tpu.memory_space<vmem_shared>> -> memref<128x128xf32, #tpu.memory_space<vmem_shared>>
        tpu.enqueue_dma source(%arg8 : memref<128x128xf32, #tpu.memory_space<vmem>>) target(%dma_start3A_97 : memref<128x128xf32, #tpu.memory_space<vmem_shared>>) target_semaphore(%run_scoped3A : memref<!tpu.dma_semaphore, #tpu.memory_space<semaphore_mem>>)
        %dma_wait3A_98 = arith.constant 0 : i32
        %dma_wait3A_99 = tpu.memref_slice %arg10[%add3A_92, %dma_wait3A_98] : memref<10240x128xf32, #tpu.memory_space<vmem_shared>> -> memref<128x128xf32, #tpu.memory_space<vmem_shared>>
        %dma_wait3A_100 = arith.constant 0 : i32
        %dma_wait3A_101 = tpu.memref_slice %arg10[%add3A_92, %dma_wait3A_100] : memref<10240x128xf32, #tpu.memory_space<vmem_shared>> -> memref<128x128xf32, #tpu.memory_space<vmem_shared>>
        tpu.wait_dma2 semaphore(%run_scoped3A : memref<!tpu.dma_semaphore, #tpu.memory_space<semaphore_mem>>) src(%arg8 : memref<128x128xf32, #tpu.memory_space<vmem>>) dst(%dma_wait3A_101 : memref<128x128xf32, #tpu.memory_space<vmem_shared>>)
        tpu.yield
      }) : () -> ()
      %scan3A_93 = arith.constant 0 : i32
      scf.yield %scan3A_93 : i32
    }
    %scan3A_23 = arith.constant 5 : i32
    %dma_wait3A = arith.constant 0 : i32
    %dma_wait3A_24 = arith.constant 0 : i32
    %dma_wait3A_25 = tpu.memref_slice %arg4[%add3A, %dma_wait3A, %dma_wait3A_24] : memref<32x80x128xi32, #tpu.memory_space<hbm>> -> memref<1x80x128xi32, #tpu.memory_space<hbm>>
    %dma_wait3A_26 = tpu.memref_squeeze %dma_wait3A_25 : memref<1x80x128xi32, #tpu.memory_space<hbm>> -> memref<80x128xi32, #tpu.memory_space<hbm>>
    %dma_wait3A_27 = arith.constant 0 : i32
    %dma_wait3A_28 = arith.constant 0 : i32
    %dma_wait3A_29 = tpu.memref_slice %arg4[%add3A, %dma_wait3A_27, %dma_wait3A_28] : memref<32x80x128xi32, #tpu.memory_space<hbm>> -> memref<1x80x128xi32, #tpu.memory_space<hbm>>
    %dma_wait3A_30 = tpu.memref_squeeze %dma_wait3A_29 : memref<1x80x128xi32, #tpu.memory_space<hbm>> -> memref<80x128xi32, #tpu.memory_space<hbm>>
    tpu.wait_dma2 semaphore(%arg12 : memref<!tpu.dma_semaphore, #tpu.memory_space<semaphore_mem>>) src(%dma_wait3A_30 : memref<80x128xi32, #tpu.memory_space<hbm>>) dst(%arg7 : memref<80x128xi32, #tpu.memory_space<vmem>>)
    %barrier3A = arith.constant 0 : index
    tpu.barrier barrier_id(%barrier3A)
    %dma_start3A_31 = arith.constant 0 : i32
    %dma_start3A_32 = arith.constant 0 : i32
    %dma_start3A_33 = arith.constant 0 : i32
    %dma_start3A_34 = tpu.memref_slice %arg6[%dma_start3A_32, %dma_start3A_33] : memref<2x128xi32, #tpu.memory_space<vmem>> -> memref<1x128xi32, #tpu.memory_space<vmem>>
    %dma_start3A_35 = tpu.memref_squeeze %dma_start3A_34 : memref<1x128xi32, #tpu.memory_space<vmem>> -> memref<128xi32, #tpu.memory_space<vmem>>
    %dma_start3A_36 = arith.constant 0 : i32
    %dma_start3A_37 = tpu.memref_slice %arg3[%add3A, %dma_start3A_31, %dma_start3A_36] : memref<32x80x128xi32, #tpu.memory_space<hbm>> -> memref<1x1x128xi32, #tpu.memory_space<hbm>>
    %dma_start3A_38 = tpu.memref_squeeze %dma_start3A_37 : memref<1x1x128xi32, #tpu.memory_space<hbm>> -> memref<128xi32, #tpu.memory_space<hbm>>
    %dma_start3A_39 = arith.constant 0 : i32
    %dma_start3A_40 = tpu.memref_slice %arg6[%dma_start3A_32, %dma_start3A_39] : memref<2x128xi32, #tpu.memory_space<vmem>> -> memref<1x128xi32, #tpu.memory_space<vmem>>
    %dma_start3A_41 = tpu.memref_squeeze %dma_start3A_40 : memref<1x128xi32, #tpu.memory_space<vmem>> -> memref<128xi32, #tpu.memory_space<vmem>>
    %dma_start3A_42 = arith.constant 0 : i32
    %dma_start3A_43 = tpu.memref_slice %arg3[%add3A, %dma_start3A_31, %dma_start3A_42] : memref<32x80x128xi32, #tpu.memory_space<hbm>> -> memref<1x1x128xi32, #tpu.memory_space<hbm>>
    %dma_start3A_44 = tpu.memref_squeeze %dma_start3A_43 : memref<1x1x128xi32, #tpu.memory_space<hbm>> -> memref<128xi32, #tpu.memory_space<hbm>>
    tpu.enqueue_dma source(%dma_start3A_44 : memref<128xi32, #tpu.memory_space<hbm>>) target(%dma_start3A_41 : memref<128xi32, #tpu.memory_space<vmem>>) target_semaphore(%arg12 : memref<!tpu.dma_semaphore, #tpu.memory_space<semaphore_mem>>)
    %dma_wait3A_45 = arith.constant 0 : i32
    %dma_wait3A_46 = arith.constant 0 : i32
    %dma_wait3A_47 = arith.constant 0 : i32
    %dma_wait3A_48 = tpu.memref_slice %arg6[%dma_wait3A_46, %dma_wait3A_47] : memref<2x128xi32, #tpu.memory_space<vmem>> -> memref<1x128xi32, #tpu.memory_space<vmem>>
    %dma_wait3A_49 = tpu.memref_squeeze %dma_wait3A_48 : memref<1x128xi32, #tpu.memory_space<vmem>> -> memref<128xi32, #tpu.memory_space<vmem>>
    %dma_wait3A_50 = arith.constant 0 : i32
    %dma_wait3A_51 = tpu.memref_slice %arg3[%add3A, %dma_wait3A_45, %dma_wait3A_50] : memref<32x80x128xi32, #tpu.memory_space<hbm>> -> memref<1x1x128xi32, #tpu.memory_space<hbm>>
    %dma_wait3A_52 = tpu.memref_squeeze %dma_wait3A_51 : memref<1x1x128xi32, #tpu.memory_space<hbm>> -> memref<128xi32, #tpu.memory_space<hbm>>
    %dma_wait3A_53 = arith.constant 0 : i32
    %dma_wait3A_54 = tpu.memref_slice %arg6[%dma_wait3A_46, %dma_wait3A_53] : memref<2x128xi32, #tpu.memory_space<vmem>> -> memref<1x128xi32, #tpu.memory_space<vmem>>
    %dma_wait3A_55 = tpu.memref_squeeze %dma_wait3A_54 : memref<1x128xi32, #tpu.memory_space<vmem>> -> memref<128xi32, #tpu.memory_space<vmem>>
    %dma_wait3A_56 = arith.constant 0 : i32
    %dma_wait3A_57 = tpu.memref_slice %arg3[%add3A, %dma_wait3A_45, %dma_wait3A_56] : memref<32x80x128xi32, #tpu.memory_space<hbm>> -> memref<1x1x128xi32, #tpu.memory_space<hbm>>
    %dma_wait3A_58 = tpu.memref_squeeze %dma_wait3A_57 : memref<1x1x128xi32, #tpu.memory_space<hbm>> -> memref<128xi32, #tpu.memory_space<hbm>>
    tpu.wait_dma2 semaphore(%arg12 : memref<!tpu.dma_semaphore, #tpu.memory_space<semaphore_mem>>) src(%dma_wait3A_58 : memref<128xi32, #tpu.memory_space<hbm>>) dst(%dma_wait3A_55 : memref<128xi32, #tpu.memory_space<vmem>>)
    %dma_start3A_59 = arith.constant 0 : i32
    %dma_start3A_60 = arith.constant 0 : i32
    %dma_start3A_61 = tpu.memref_slice %arg6[%dma_start3A_59, %dma_start3A_60] : memref<2x128xi32, #tpu.memory_space<vmem>> -> memref<1x128xi32, #tpu.memory_space<vmem>>
    %dma_start3A_62 = tpu.memref_squeeze %dma_start3A_61 : memref<1x128xi32, #tpu.memory_space<vmem>> -> memref<128xi32, #tpu.memory_space<vmem>>
    %dma_start3A_63 = arith.constant 0 : i32
    %dma_start3A_64 = arith.constant 0 : i32
    %dma_start3A_65 = tpu.memref_slice %arg2[%dma_start3A_63, %dma_start3A_64] : memref<10240x128xf32, #tpu.memory_space<hbm>> -> memref<10240x128xf32, #tpu.memory_space<hbm>>
    tpu.enqueue_indirect_dma source(%dma_start3A_65 : memref<10240x128xf32, #tpu.memory_space<hbm>>) target(%arg8 : memref<128x128xf32, #tpu.memory_space<vmem>>) offsets(%dma_start3A_62 : memref<128xi32, #tpu.memory_space<vmem>>) semaphore(%arg11 : memref<!tpu.dma_semaphore, #tpu.memory_space<semaphore_mem>>)
    %dma_start3A_66 = arith.constant 1 : i32
    %dma_start3A_67 = arith.constant 1 : i32
    %dma_start3A_68 = arith.constant 0 : i32
    %dma_start3A_69 = tpu.memref_slice %arg6[%dma_start3A_67, %dma_start3A_68] : memref<2x128xi32, #tpu.memory_space<vmem>> -> memref<1x128xi32, #tpu.memory_space<vmem>>
    %dma_start3A_70 = tpu.memref_squeeze %dma_start3A_69 : memref<1x128xi32, #tpu.memory_space<vmem>> -> memref<128xi32, #tpu.memory_space<vmem>>
    %dma_start3A_71 = arith.constant 0 : i32
    %dma_start3A_72 = tpu.memref_slice %arg3[%add3A, %dma_start3A_66, %dma_start3A_71] : memref<32x80x128xi32, #tpu.memory_space<hbm>> -> memref<1x1x128xi32, #tpu.memory_space<hbm>>
    %dma_start3A_73 = tpu.memref_squeeze %dma_start3A_72 : memref<1x1x128xi32, #tpu.memory_space<hbm>> -> memref<128xi32, #tpu.memory_space<hbm>>
    %dma_start3A_74 = arith.constant 0 : i32
    %dma_start3A_75 = tpu.memref_slice %arg6[%dma_start3A_67, %dma_start3A_74] : memref<2x128xi32, #tpu.memory_space<vmem>> -> memref<1x128xi32, #tpu.memory_space<vmem>>
    %dma_start3A_76 = tpu.memref_squeeze %dma_start3A_75 : memref<1x128xi32, #tpu.memory_space<vmem>> -> memref<128xi32, #tpu.memory_space<vmem>>
    %dma_start3A_77 = arith.constant 0 : i32
    %dma_start3A_78 = tpu.memref_slice %arg3[%add3A, %dma_start3A_66, %dma_start3A_77] : memref<32x80x128xi32, #tpu.memory_space<hbm>> -> memref<1x1x128xi32, #tpu.memory_space<hbm>>
    %dma_start3A_79 = tpu.memref_squeeze %dma_start3A_78 : memref<1x1x128xi32, #tpu.memory_space<hbm>> -> memref<128xi32, #tpu.memory_space<hbm>>
    tpu.enqueue_dma source(%dma_start3A_79 : memref<128xi32, #tpu.memory_space<hbm>>) target(%dma_start3A_76 : memref<128xi32, #tpu.memory_space<vmem>>) target_semaphore(%arg12 : memref<!tpu.dma_semaphore, #tpu.memory_space<semaphore_mem>>)
    %scan3A_80 = arith.constant 0 : i32
    %scan3A_81 = arith.constant 0 : i32
    %scan3A_82 = arith.constant 80 : i32
    %scan3A_83 = arith.addi %scan3A_81, %scan3A_82 : i32
    %scan3A_84 = arith.constant 1 : i32
    %scan3A_85 = scf.for %scan3A_88 = %scan3A_81 to %scan3A_83 step %scan3A_84 iter_args(%scan3A_89 = %scan3A_80) -> (i32)  : i32 {
      %rem3A = arith.constant 2 : i32
      %rem3A_90 = arith.remsi %scan3A_88, %rem3A : i32
      %sub3A = arith.constant 1 : i32
      %sub3A_91 = arith.subi %sub3A, %rem3A_90 : i32
      %add3A_92 = arith.constant 1 : i32
      %add3A_93 = arith.addi %scan3A_88, %add3A_92 : i32
      %lt3A = arith.constant 80 : i32
      %lt3A_94 = arith.cmpi slt, %add3A_93, %lt3A : i32
      %convert_element_type3A = arith.extui %lt3A_94 : i1 to i32
      %cond3A = arith.constant 0 : i32
      %cond3A_95 = arith.cmpi ne, %convert_element_type3A, %cond3A : i32
      scf.if %cond3A_95 {
        %dma_wait3A_120 = arith.constant 0 : i32
        %dma_wait3A_121 = arith.constant 0 : i32
        %dma_wait3A_122 = arith.constant 0 : i32
        %dma_wait3A_123 = tpu.memref_slice %arg6[%dma_wait3A_121, %dma_wait3A_122] : memref<2x128xi32, #tpu.memory_space<vmem>> -> memref<1x128xi32, #tpu.memory_space<vmem>>
        %dma_wait3A_124 = tpu.memref_squeeze %dma_wait3A_123 : memref<1x128xi32, #tpu.memory_space<vmem>> -> memref<128xi32, #tpu.memory_space<vmem>>
        %dma_wait3A_125 = arith.constant 0 : i32
        %dma_wait3A_126 = tpu.memref_slice %arg3[%add3A, %dma_wait3A_120, %dma_wait3A_125] : memref<32x80x128xi32, #tpu.memory_space<hbm>> -> memref<1x1x128xi32, #tpu.memory_space<hbm>>
        %dma_wait3A_127 = tpu.memref_squeeze %dma_wait3A_126 : memref<1x1x128xi32, #tpu.memory_space<hbm>> -> memref<128xi32, #tpu.memory_space<hbm>>
        %dma_wait3A_128 = arith.constant 0 : i32
        %dma_wait3A_129 = tpu.memref_slice %arg6[%dma_wait3A_121, %dma_wait3A_128] : memref<2x128xi32, #tpu.memory_space<vmem>> -> memref<1x128xi32, #tpu.memory_space<vmem>>
        %dma_wait3A_130 = tpu.memref_squeeze %dma_wait3A_129 : memref<1x128xi32, #tpu.memory_space<vmem>> -> memref<128xi32, #tpu.memory_space<vmem>>
        %dma_wait3A_131 = arith.constant 0 : i32
        %dma_wait3A_132 = tpu.memref_slice %arg3[%add3A, %dma_wait3A_120, %dma_wait3A_131] : memref<32x80x128xi32, #tpu.memory_space<hbm>> -> memref<1x1x128xi32, #tpu.memory_space<hbm>>
        %dma_wait3A_133 = tpu.memref_squeeze %dma_wait3A_132 : memref<1x1x128xi32, #tpu.memory_space<hbm>> -> memref<128xi32, #tpu.memory_space<hbm>>
        tpu.wait_dma2 semaphore(%arg12 : memref<!tpu.dma_semaphore, #tpu.memory_space<semaphore_mem>>) src(%dma_wait3A_133 : memref<128xi32, #tpu.memory_space<hbm>>) dst(%dma_wait3A_130 : memref<128xi32, #tpu.memory_space<vmem>>)
        %eq3A_134 = arith.constant 0 : i32
        %eq3A_135 = arith.cmpi eq, %sub3A_91, %eq3A_134 : i32
        %convert_element_type3A_136 = arith.extui %eq3A_135 : i1 to i32
        %cond3A_137 = arith.constant 0 : i32
        %cond3A_138 = arith.cmpi ne, %convert_element_type3A_136, %cond3A_137 : i32
        scf.if %cond3A_138 {
          %dma_start3A_144 = arith.constant 0 : i32
          %dma_start3A_145 = arith.constant 0 : i32
          %dma_start3A_146 = tpu.memref_slice %arg6[%dma_start3A_144, %dma_start3A_145] : memref<2x128xi32, #tpu.memory_space<vmem>> -> memref<1x128xi32, #tpu.memory_space<vmem>>
          %dma_start3A_147 = tpu.memref_squeeze %dma_start3A_146 : memref<1x128xi32, #tpu.memory_space<vmem>> -> memref<128xi32, #tpu.memory_space<vmem>>
          %dma_start3A_148 = arith.constant 0 : i32
          %dma_start3A_149 = arith.constant 0 : i32
          %dma_start3A_150 = tpu.memref_slice %arg2[%dma_start3A_148, %dma_start3A_149] : memref<10240x128xf32, #tpu.memory_space<hbm>> -> memref<10240x128xf32, #tpu.memory_space<hbm>>
          tpu.enqueue_indirect_dma source(%dma_start3A_150 : memref<10240x128xf32, #tpu.memory_space<hbm>>) target(%arg8 : memref<128x128xf32, #tpu.memory_space<vmem>>) offsets(%dma_start3A_147 : memref<128xi32, #tpu.memory_space<vmem>>) semaphore(%arg11 : memref<!tpu.dma_semaphore, #tpu.memory_space<semaphore_mem>>)
        } else {
        }
        %eq3A_139 = arith.constant 1 : i32
        %eq3A_140 = arith.cmpi eq, %sub3A_91, %eq3A_139 : i32
        %convert_element_type3A_141 = arith.extui %eq3A_140 : i1 to i32
        %cond3A_142 = arith.constant 0 : i32
        %cond3A_143 = arith.cmpi ne, %convert_element_type3A_141, %cond3A_142 : i32
        scf.if %cond3A_143 {
          %dma_start3A_144 = arith.constant 1 : i32
          %dma_start3A_145 = arith.constant 0 : i32
          %dma_start3A_146 = tpu.memref_slice %arg6[%dma_start3A_144, %dma_start3A_145] : memref<2x128xi32, #tpu.memory_space<vmem>> -> memref<1x128xi32, #tpu.memory_space<vmem>>
          %dma_start3A_147 = tpu.memref_squeeze %dma_start3A_146 : memref<1x128xi32, #tpu.memory_space<vmem>> -> memref<128xi32, #tpu.memory_space<vmem>>
          %dma_start3A_148 = arith.constant 0 : i32
          %dma_start3A_149 = arith.constant 0 : i32
          %dma_start3A_150 = tpu.memref_slice %arg2[%dma_start3A_148, %dma_start3A_149] : memref<10240x128xf32, #tpu.memory_space<hbm>> -> memref<10240x128xf32, #tpu.memory_space<hbm>>
          tpu.enqueue_indirect_dma source(%dma_start3A_150 : memref<10240x128xf32, #tpu.memory_space<hbm>>) target(%arg9 : memref<128x128xf32, #tpu.memory_space<vmem>>) offsets(%dma_start3A_147 : memref<128xi32, #tpu.memory_space<vmem>>) semaphore(%arg11 : memref<!tpu.dma_semaphore, #tpu.memory_space<semaphore_mem>>)
        } else {
        }
      } else {
      }
      %dma_wait3A_96 = arith.constant 0 : i32
      %dma_wait3A_97 = arith.constant 0 : i32
      %dma_wait3A_98 = tpu.memref_slice %arg6[%dma_wait3A_96, %dma_wait3A_97] : memref<2x128xi32, #tpu.memory_space<vmem>> -> memref<1x128xi32, #tpu.memory_space<vmem>>
      %dma_wait3A_99 = tpu.memref_squeeze %dma_wait3A_98 : memref<1x128xi32, #tpu.memory_space<vmem>> -> memref<128xi32, #tpu.memory_space<vmem>>
      %dma_wait3A_100 = arith.constant 0 : i32
      %dma_wait3A_101 = arith.constant 0 : i32
      %dma_wait3A_102 = tpu.memref_slice %arg2[%dma_wait3A_100, %dma_wait3A_101] : memref<10240x128xf32, #tpu.memory_space<hbm>> -> memref<10240x128xf32, #tpu.memory_space<hbm>>
      tpu.wait_indirect_dma semaphore(%arg11 : memref<!tpu.dma_semaphore, #tpu.memory_space<semaphore_mem>>) src(%dma_wait3A_102 : memref<10240x128xf32, #tpu.memory_space<hbm>>) dst(%arg8 : memref<128x128xf32, #tpu.memory_space<vmem>>)
      %add3A_103 = arith.constant 2 : i32
      %add3A_104 = arith.addi %scan3A_88, %add3A_103 : i32
      %lt3A_105 = arith.constant 80 : i32
      %lt3A_106 = arith.cmpi slt, %add3A_104, %lt3A_105 : i32
      %convert_element_type3A_107 = arith.extui %lt3A_106 : i1 to i32
      %cond3A_108 = arith.constant 0 : i32
      %cond3A_109 = arith.cmpi ne, %convert_element_type3A_107, %cond3A_108 : i32
      scf.if %cond3A_109 {
        %add3A_120 = arith.constant 2 : i32
        %add3A_121 = arith.addi %scan3A_88, %add3A_120 : i32
        %dma_start3A_122 = arith.constant 0 : i32
        %dma_start3A_123 = tpu.memref_slice %arg6[%rem3A_90, %dma_start3A_122] : memref<2x128xi32, #tpu.memory_space<vmem>> -> memref<1x128xi32, #tpu.memory_space<vmem>>
        %dma_start3A_124 = tpu.memref_squeeze %dma_start3A_123 : memref<1x128xi32, #tpu.memory_space<vmem>> -> memref<128xi32, #tpu.memory_space<vmem>>
        %dma_start3A_125 = arith.constant 0 : i32
        %dma_start3A_126 = tpu.memref_slice %arg3[%add3A, %add3A_121, %dma_start3A_125] : memref<32x80x128xi32, #tpu.memory_space<hbm>> -> memref<1x1x128xi32, #tpu.memory_space<hbm>>
        %dma_start3A_127 = tpu.memref_squeeze %dma_start3A_126 : memref<1x1x128xi32, #tpu.memory_space<hbm>> -> memref<128xi32, #tpu.memory_space<hbm>>
        %dma_start3A_128 = arith.constant 0 : i32
        %dma_start3A_129 = tpu.memref_slice %arg6[%rem3A_90, %dma_start3A_128] : memref<2x128xi32, #tpu.memory_space<vmem>> -> memref<1x128xi32, #tpu.memory_space<vmem>>
        %dma_start3A_130 = tpu.memref_squeeze %dma_start3A_129 : memref<1x128xi32, #tpu.memory_space<vmem>> -> memref<128xi32, #tpu.memory_space<vmem>>
        %dma_start3A_131 = arith.constant 0 : i32
        %dma_start3A_132 = tpu.memref_slice %arg3[%add3A, %add3A_121, %dma_start3A_131] : memref<32x80x128xi32, #tpu.memory_space<hbm>> -> memref<1x1x128xi32, #tpu.memory_space<hbm>>
        %dma_start3A_133 = tpu.memref_squeeze %dma_start3A_132 : memref<1x1x128xi32, #tpu.memory_space<hbm>> -> memref<128xi32, #tpu.memory_space<hbm>>
        tpu.enqueue_dma source(%dma_start3A_133 : memref<128xi32, #tpu.memory_space<hbm>>) target(%dma_start3A_130 : memref<128xi32, #tpu.memory_space<vmem>>) target_semaphore(%arg12 : memref<!tpu.dma_semaphore, #tpu.memory_space<semaphore_mem>>)
      } else {
      }
      %eq3A = arith.constant 0 : i32
      %eq3A_110 = arith.cmpi eq, %rem3A_90, %eq3A : i32
      %convert_element_type3A_111 = arith.extui %eq3A_110 : i1 to i32
      %cond3A_112 = arith.constant 0 : i32
      %cond3A_113 = arith.cmpi ne, %convert_element_type3A_111, %cond3A_112 : i32
      scf.if %cond3A_113 {
        "tpu.region"() ({
          %run_scoped3A = tpu.sem_alloc : memref<!tpu.dma_semaphore, #tpu.memory_space<semaphore_mem>>
          %dma_start3A_120 = arith.constant 0 : i32
          %dma_start3A_121 = tpu.memref_slice %arg7[%scan3A_88, %dma_start3A_120] : memref<80x128xi32, #tpu.memory_space<vmem>> -> memref<1x128xi32, #tpu.memory_space<vmem>>
          %dma_start3A_122 = tpu.memref_squeeze %dma_start3A_121 : memref<1x128xi32, #tpu.memory_space<vmem>> -> memref<128xi32, #tpu.memory_space<vmem>>
          %dma_start3A_123 = arith.constant 0 : i32
          %dma_start3A_124 = arith.constant 0 : i32
          %dma_start3A_125 = tpu.memref_slice %arg10[%dma_start3A_123, %dma_start3A_124] : memref<10240x128xf32, #tpu.memory_space<vmem_shared>> -> memref<10240x128xf32, #tpu.memory_space<vmem_shared>>
          tpu.enqueue_indirect_dma source(%arg8 : memref<128x128xf32, #tpu.memory_space<vmem>>) target(%dma_start3A_125 : memref<10240x128xf32, #tpu.memory_space<vmem_shared>>) offsets(%dma_start3A_122 : memref<128xi32, #tpu.memory_space<vmem>>) semaphore(%run_scoped3A : memref<!tpu.dma_semaphore, #tpu.memory_space<semaphore_mem>>) {add = true}
          %dma_wait3A_126 = arith.constant 0 : i32
          %dma_wait3A_127 = tpu.memref_slice %arg7[%scan3A_88, %dma_wait3A_126] : memref<80x128xi32, #tpu.memory_space<vmem>> -> memref<1x128xi32, #tpu.memory_space<vmem>>
          %dma_wait3A_128 = tpu.memref_squeeze %dma_wait3A_127 : memref<1x128xi32, #tpu.memory_space<vmem>> -> memref<128xi32, #tpu.memory_space<vmem>>
          %dma_wait3A_129 = arith.constant 0 : i32
          %dma_wait3A_130 = arith.constant 0 : i32
          %dma_wait3A_131 = tpu.memref_slice %arg10[%dma_wait3A_129, %dma_wait3A_130] : memref<10240x128xf32, #tpu.memory_space<vmem_shared>> -> memref<10240x128xf32, #tpu.memory_space<vmem_shared>>
          tpu.wait_indirect_dma semaphore(%run_scoped3A : memref<!tpu.dma_semaphore, #tpu.memory_space<semaphore_mem>>) src(%arg8 : memref<128x128xf32, #tpu.memory_space<vmem>>) dst(%dma_wait3A_131 : memref<10240x128xf32, #tpu.memory_space<vmem_shared>>)
          tpu.yield
        }) : () -> ()
      } else {
      }
      %eq3A_114 = arith.constant 1 : i32
      %eq3A_115 = arith.cmpi eq, %rem3A_90, %eq3A_114 : i32
      %convert_element_type3A_116 = arith.extui %eq3A_115 : i1 to i32
      %cond3A_117 = arith.constant 0 : i32
      %cond3A_118 = arith.cmpi ne, %convert_element_type3A_116, %cond3A_117 : i32
      scf.if %cond3A_118 {
        "tpu.region"() ({
          %run_scoped3A = tpu.sem_alloc : memref<!tpu.dma_semaphore, #tpu.memory_space<semaphore_mem>>
          %dma_start3A_120 = arith.constant 0 : i32
          %dma_start3A_121 = tpu.memref_slice %arg7[%scan3A_88, %dma_start3A_120] : memref<80x128xi32, #tpu.memory_space<vmem>> -> memref<1x128xi32, #tpu.memory_space<vmem>>
          %dma_start3A_122 = tpu.memref_squeeze %dma_start3A_121 : memref<1x128xi32, #tpu.memory_space<vmem>> -> memref<128xi32, #tpu.memory_space<vmem>>
          %dma_start3A_123 = arith.constant 0 : i32
          %dma_start3A_124 = arith.constant 0 : i32
          %dma_start3A_125 = tpu.memref_slice %arg10[%dma_start3A_123, %dma_start3A_124] : memref<10240x128xf32, #tpu.memory_space<vmem_shared>> -> memref<10240x128xf32, #tpu.memory_space<vmem_shared>>
          tpu.enqueue_indirect_dma source(%arg9 : memref<128x128xf32, #tpu.memory_space<vmem>>) target(%dma_start3A_125 : memref<10240x128xf32, #tpu.memory_space<vmem_shared>>) offsets(%dma_start3A_122 : memref<128xi32, #tpu.memory_space<vmem>>) semaphore(%run_scoped3A : memref<!tpu.dma_semaphore, #tpu.memory_space<semaphore_mem>>) {add = true}
          %dma_wait3A_126 = arith.constant 0 : i32
          %dma_wait3A_127 = tpu.memref_slice %arg7[%scan3A_88, %dma_wait3A_126] : memref<80x128xi32, #tpu.memory_space<vmem>> -> memref<1x128xi32, #tpu.memory_space<vmem>>
          %dma_wait3A_128 = tpu.memref_squeeze %dma_wait3A_127 : memref<1x128xi32, #tpu.memory_space<vmem>> -> memref<128xi32, #tpu.memory_space<vmem>>
          %dma_wait3A_129 = arith.constant 0 : i32
          %dma_wait3A_130 = arith.constant 0 : i32
          %dma_wait3A_131 = tpu.memref_slice %arg10[%dma_wait3A_129, %dma_wait3A_130] : memref<10240x128xf32, #tpu.memory_space<vmem_shared>> -> memref<10240x128xf32, #tpu.memory_space<vmem_shared>>
          tpu.wait_indirect_dma semaphore(%run_scoped3A : memref<!tpu.dma_semaphore, #tpu.memory_space<semaphore_mem>>) src(%arg9 : memref<128x128xf32, #tpu.memory_space<vmem>>) dst(%dma_wait3A_131 : memref<10240x128xf32, #tpu.memory_space<vmem_shared>>)
          tpu.yield
        }) : () -> ()
      } else {
      }
      %scan3A_119 = arith.constant 0 : i32
      scf.yield %scan3A_119 : i32
    }
    %scan3A_86 = arith.constant 80 : i32
    %barrier3A_87 = arith.constant 0 : index
    tpu.barrier barrier_id(%barrier3A_87)
    "tpu.region"() ({
      %run_scoped3A = tpu.sem_alloc : memref<!tpu.dma_semaphore, #tpu.memory_space<semaphore_mem>>
      %dma_start3A_88 = arith.constant 0 : i32
      %dma_start3A_89 = tpu.memref_slice %arg5[%arg0, %mul3A_16, %dma_start3A_88] : memref<2x10240x128xf32, #tpu.memory_space<hbm>> -> memref<1x640x128xf32, #tpu.memory_space<hbm>>
      %dma_start3A_90 = tpu.memref_squeeze %dma_start3A_89 : memref<1x640x128xf32, #tpu.memory_space<hbm>> -> memref<640x128xf32, #tpu.memory_space<hbm>>
      %dma_start3A_91 = arith.constant 0 : i32
      %dma_start3A_92 = tpu.memref_slice %arg10[%mul3A_16, %dma_start3A_91] : memref<10240x128xf32, #tpu.memory_space<vmem_shared>> -> memref<640x128xf32, #tpu.memory_space<vmem_shared>>
      tpu.enqueue_dma source(%dma_start3A_92 : memref<640x128xf32, #tpu.memory_space<vmem_shared>>) target(%dma_start3A_90 : memref<640x128xf32, #tpu.memory_space<hbm>>) target_semaphore(%run_scoped3A : memref<!tpu.dma_semaphore, #tpu.memory_space<semaphore_mem>>)
      %dma_wait3A_93 = arith.constant 0 : i32
      %dma_wait3A_94 = tpu.memref_slice %arg5[%arg0, %mul3A_16, %dma_wait3A_93] : memref<2x10240x128xf32, #tpu.memory_space<hbm>> -> memref<1x640x128xf32, #tpu.memory_space<hbm>>
      %dma_wait3A_95 = tpu.memref_squeeze %dma_wait3A_94 : memref<1x640x128xf32, #tpu.memory_space<hbm>> -> memref<640x128xf32, #tpu.memory_space<hbm>>
      %dma_wait3A_96 = arith.constant 0 : i32
      %dma_wait3A_97 = tpu.memref_slice %arg10[%mul3A_16, %dma_wait3A_96] : memref<10240x128xf32, #tpu.memory_space<vmem_shared>> -> memref<640x128xf32, #tpu.memory_space<vmem_shared>>
      tpu.wait_dma2 semaphore(%run_scoped3A : memref<!tpu.dma_semaphore, #tpu.memory_space<semaphore_mem>>) src(%dma_wait3A_97 : memref<640x128xf32, #tpu.memory_space<vmem_shared>>) dst(%dma_wait3A_95 : memref<640x128xf32, #tpu.memory_space<hbm>>)
      tpu.yield
    }) : () -> ()
    return
  }
}

#map = affine_map<(d0, d1) -> (0, 0, 0)>
#map1 = affine_map<(d0, d1) -> (0, 0, 0, 0, 0)>
module attributes {stable_mosaic.version = 14 : i64} {
  func.func @_sc_degree(%arg0: i32, %arg1: i32, %arg2: memref<32x80x128xi32, #tpu.memory_space<hbm>>, %arg3: memref<2x16x2x640x128xf32, #tpu.memory_space<hbm>>, %arg4: memref<80x128xi32, #tpu.memory_space<vmem>>, %arg5: memref<640x128xf32, #tpu.memory_space<vmem>>) attributes {dimension_semantics = [#tpu.dimension_semantics<core_parallel>, #tpu.dimension_semantics<subcore_parallel>], iteration_bounds = array<i64: 2, 16>, scalar_prefetch = 0 : i64, scratch_operands = 2 : i64, tpu.core_type = #tpu.core_type<sc_vector_subcore>, window_params = [{transform_indices = #map}, {transform_indices = #map1}]} {
    %mul3A = arith.constant 16 : i32
    %mul3A_0 = arith.muli %arg0, %mul3A : i32
    %add3A = arith.addi %mul3A_0, %arg1 : i32
    %broadcast_in_dim3A = arith.constant 0.000000e+00 : f32
    %broadcast_in_dim3A_1 = vector.broadcast %broadcast_in_dim3A : f32 to vector<16xf32>
    %broadcast_in_dim3A_2 = arith.constant 1.000000e+00 : f32
    %broadcast_in_dim3A_3 = vector.broadcast %broadcast_in_dim3A_2 : f32 to vector<16xf32>
    %iota3A = tpu.iota {dimensions = array<i32: 0>} : vector<16xi32>
    "tpu.region"() ({
      %run_scoped3A_32 = tpu.sem_alloc : memref<!tpu.dma_semaphore, #tpu.memory_space<semaphore_mem>>
      %dma_start3A = arith.constant 0 : i32
      %dma_start3A_33 = arith.constant 0 : i32
      %dma_start3A_34 = tpu.memref_slice %arg2[%add3A, %dma_start3A, %dma_start3A_33] : memref<32x80x128xi32, #tpu.memory_space<hbm>> -> memref<1x80x128xi32, #tpu.memory_space<hbm>>
      %dma_start3A_35 = tpu.memref_squeeze %dma_start3A_34 : memref<1x80x128xi32, #tpu.memory_space<hbm>> -> memref<80x128xi32, #tpu.memory_space<hbm>>
      %dma_start3A_36 = arith.constant 0 : i32
      %dma_start3A_37 = arith.constant 0 : i32
      %dma_start3A_38 = tpu.memref_slice %arg2[%add3A, %dma_start3A_36, %dma_start3A_37] : memref<32x80x128xi32, #tpu.memory_space<hbm>> -> memref<1x80x128xi32, #tpu.memory_space<hbm>>
      %dma_start3A_39 = tpu.memref_squeeze %dma_start3A_38 : memref<1x80x128xi32, #tpu.memory_space<hbm>> -> memref<80x128xi32, #tpu.memory_space<hbm>>
      tpu.enqueue_dma source(%dma_start3A_39 : memref<80x128xi32, #tpu.memory_space<hbm>>) target(%arg4 : memref<80x128xi32, #tpu.memory_space<vmem>>) target_semaphore(%run_scoped3A_32 : memref<!tpu.dma_semaphore, #tpu.memory_space<semaphore_mem>>)
      %dma_wait3A = arith.constant 0 : i32
      %dma_wait3A_40 = arith.constant 0 : i32
      %dma_wait3A_41 = tpu.memref_slice %arg2[%add3A, %dma_wait3A, %dma_wait3A_40] : memref<32x80x128xi32, #tpu.memory_space<hbm>> -> memref<1x80x128xi32, #tpu.memory_space<hbm>>
      %dma_wait3A_42 = tpu.memref_squeeze %dma_wait3A_41 : memref<1x80x128xi32, #tpu.memory_space<hbm>> -> memref<80x128xi32, #tpu.memory_space<hbm>>
      %dma_wait3A_43 = arith.constant 0 : i32
      %dma_wait3A_44 = arith.constant 0 : i32
      %dma_wait3A_45 = tpu.memref_slice %arg2[%add3A, %dma_wait3A_43, %dma_wait3A_44] : memref<32x80x128xi32, #tpu.memory_space<hbm>> -> memref<1x80x128xi32, #tpu.memory_space<hbm>>
      %dma_wait3A_46 = tpu.memref_squeeze %dma_wait3A_45 : memref<1x80x128xi32, #tpu.memory_space<hbm>> -> memref<80x128xi32, #tpu.memory_space<hbm>>
      tpu.wait_dma2 semaphore(%run_scoped3A_32 : memref<!tpu.dma_semaphore, #tpu.memory_space<semaphore_mem>>) src(%dma_wait3A_46 : memref<80x128xi32, #tpu.memory_space<hbm>>) dst(%arg4 : memref<80x128xi32, #tpu.memory_space<vmem>>)
      tpu.yield
    }) : () -> ()
    %scan3A = arith.constant 0 : i32
    %scan3A_4 = arith.constant 0 : i32
    %scan3A_5 = arith.constant 640 : i32
    %scan3A_6 = arith.addi %scan3A_4, %scan3A_5 : i32
    %scan3A_7 = arith.constant 1 : i32
    %scan3A_8 = scf.for %scan3A_32 = %scan3A_4 to %scan3A_6 step %scan3A_7 iter_args(%scan3A_33 = %scan3A) -> (i32)  : i32 {
      %scan3A_34 = arith.constant 0 : i32
      %scan3A_35 = arith.constant 0 : i32
      %scan3A_36 = arith.constant 8 : i32
      %scan3A_37 = arith.addi %scan3A_35, %scan3A_36 : i32
      %scan3A_38 = arith.constant 1 : i32
      %scan3A_39 = scf.for %scan3A_42 = %scan3A_35 to %scan3A_37 step %scan3A_38 iter_args(%scan3A_43 = %scan3A_34) -> (i32)  : i32 {
        %mul3A_44 = arith.constant 16 : i32
        %mul3A_45 = arith.muli %scan3A_42, %mul3A_44 : i32
        %swap3A = arith.index_cast %scan3A_32 : i32 to index
        %swap3A_46 = arith.index_cast %mul3A_45 : i32 to index
        %swap3A_47 = tpu.vector_load %arg5[%swap3A, %swap3A_46] {strides = array<i32>} : memref<640x128xf32, #tpu.memory_space<vmem>>, vector<16xf32>,
        tpu.vector_store %arg5[%swap3A, %swap3A_46], %broadcast_in_dim3A_1 {strides = array<i32>} : memref<640x128xf32, #tpu.memory_space<vmem>>, vector<16xf32>,
        %scan3A_48 = arith.constant 0 : i32
        scf.yield %scan3A_48 : i32
      }
      %scan3A_40 = arith.constant 8 : i32
      %scan3A_41 = arith.constant 0 : i32
      scf.yield %scan3A_41 : i32
    }
    %scan3A_9 = arith.constant 640 : i32
    %scan3A_10 = arith.constant 0 : i32
    %scan3A_11 = arith.constant 0 : i32
    %scan3A_12 = arith.constant 80 : i32
    %scan3A_13 = arith.addi %scan3A_11, %scan3A_12 : i32
    %scan3A_14 = arith.constant 1 : i32
    %scan3A_15 = scf.for %scan3A_32 = %scan3A_11 to %scan3A_13 step %scan3A_14 iter_args(%scan3A_33 = %scan3A_10) -> (i32)  : i32 {
      %get3A = arith.index_cast %scan3A_32 : i32 to index
      %get3A_34 = arith.constant 0 : index
      %get3A_35 = tpu.vector_load %arg4[%get3A, %get3A_34] {strides = array<i32>} : memref<80x128xi32, #tpu.memory_space<vmem>>, vector<16xi32>,
      %sub3A = arith.constant 0 : i32
      %sub3A_36 = vector.broadcast %sub3A : i32 to vector<16xi32>
      %sub3A_37 = arith.subi %get3A_35, %sub3A_36 : vector<16xi32>
      %ge3A = arith.constant 0 : i32
      %ge3A_38 = vector.broadcast %ge3A : i32 to vector<16xi32>
      %ge3A_39 = arith.cmpi sge, %sub3A_37, %ge3A_38 : vector<16xi32>
      %lt3A = arith.constant 5120 : i32
      %lt3A_40 = vector.broadcast %lt3A : i32 to vector<16xi32>
      %lt3A_41 = arith.cmpi slt, %sub3A_37, %lt3A_40 : vector<16xi32>
      %and3A = arith.andi %ge3A_39, %lt3A_41 : vector<16xi1>
      %jit3A = arith.constant 0 : i32
      %jit3A_42 = arith.constant 5119 : i32
      %max3A = vector.broadcast %jit3A : i32 to vector<16xi32>
      %max3A_43 = arith.maxsi %max3A, %sub3A_37 : vector<16xi32>
      %min3A = vector.broadcast %jit3A_42 : i32 to vector<16xi32>
      %min3A_44 = arith.minsi %min3A, %max3A_43 : vector<16xi32>
      %shift_right_logical3A = arith.constant 3 : i32
      %shift_right_logical3A_45 = vector.broadcast %shift_right_logical3A : i32 to vector<16xi32>
      %shift_right_logical3A_46 = arith.shrui %min3A_44, %shift_right_logical3A_45 : vector<16xi32>
      %and3A_47 = arith.constant 7 : i32
      %and3A_48 = vector.broadcast %and3A_47 : i32 to vector<16xi32>
      %and3A_49 = arith.andi %min3A_44, %and3A_48 : vector<16xi32>
      %shift_left3A = arith.constant 4 : i32
      %shift_left3A_50 = vector.broadcast %shift_left3A : i32 to vector<16xi32>
      %shift_left3A_51 = arith.shli %and3A_49, %shift_left3A_50 : vector<16xi32>
      %add3A_52 = arith.addi %shift_left3A_51, %iota3A : vector<16xi32>
      tpu.vector_store_idx %arg5[%shift_right_logical3A_46, %add3A_52], %broadcast_in_dim3A_3 masked %and3A {add = true} : memref<640x128xf32, #tpu.memory_space<vmem>>[vector<16xi32>, vector<16xi32>], vector<16xf32>, vector<16xi1>
      %get3A_53 = arith.index_cast %scan3A_32 : i32 to index
      %get3A_54 = arith.constant 16 : index
      %get3A_55 = tpu.vector_load %arg4[%get3A_53, %get3A_54] {strides = array<i32>} : memref<80x128xi32, #tpu.memory_space<vmem>>, vector<16xi32>,
      %sub3A_56 = arith.constant 0 : i32
      %sub3A_57 = vector.broadcast %sub3A_56 : i32 to vector<16xi32>
      %sub3A_58 = arith.subi %get3A_55, %sub3A_57 : vector<16xi32>
      %ge3A_59 = arith.constant 0 : i32
      %ge3A_60 = vector.broadcast %ge3A_59 : i32 to vector<16xi32>
      %ge3A_61 = arith.cmpi sge, %sub3A_58, %ge3A_60 : vector<16xi32>
      %lt3A_62 = arith.constant 5120 : i32
      %lt3A_63 = vector.broadcast %lt3A_62 : i32 to vector<16xi32>
      %lt3A_64 = arith.cmpi slt, %sub3A_58, %lt3A_63 : vector<16xi32>
      %and3A_65 = arith.andi %ge3A_61, %lt3A_64 : vector<16xi1>
      %jit3A_66 = arith.constant 0 : i32
      %jit3A_67 = arith.constant 5119 : i32
      %max3A_68 = vector.broadcast %jit3A_66 : i32 to vector<16xi32>
      %max3A_69 = arith.maxsi %max3A_68, %sub3A_58 : vector<16xi32>
      %min3A_70 = vector.broadcast %jit3A_67 : i32 to vector<16xi32>
      %min3A_71 = arith.minsi %min3A_70, %max3A_69 : vector<16xi32>
      %shift_right_logical3A_72 = arith.constant 3 : i32
      %shift_right_logical3A_73 = vector.broadcast %shift_right_logical3A_72 : i32 to vector<16xi32>
      %shift_right_logical3A_74 = arith.shrui %min3A_71, %shift_right_logical3A_73 : vector<16xi32>
      %and3A_75 = arith.constant 7 : i32
      %and3A_76 = vector.broadcast %and3A_75 : i32 to vector<16xi32>
      %and3A_77 = arith.andi %min3A_71, %and3A_76 : vector<16xi32>
      %shift_left3A_78 = arith.constant 4 : i32
      %shift_left3A_79 = vector.broadcast %shift_left3A_78 : i32 to vector<16xi32>
      %shift_left3A_80 = arith.shli %and3A_77, %shift_left3A_79 : vector<16xi32>
      %add3A_81 = arith.addi %shift_left3A_80, %iota3A : vector<16xi32>
      tpu.vector_store_idx %arg5[%shift_right_logical3A_74, %add3A_81], %broadcast_in_dim3A_3 masked %and3A_65 {add = true} : memref<640x128xf32, #tpu.memory_space<vmem>>[vector<16xi32>, vector<16xi32>], vector<16xf32>, vector<16xi1>
      %get3A_82 = arith.index_cast %scan3A_32 : i32 to index
      %get3A_83 = arith.constant 32 : index
      %get3A_84 = tpu.vector_load %arg4[%get3A_82, %get3A_83] {strides = array<i32>} : memref<80x128xi32, #tpu.memory_space<vmem>>, vector<16xi32>,
      %sub3A_85 = arith.constant 0 : i32
      %sub3A_86 = vector.broadcast %sub3A_85 : i32 to vector<16xi32>
      %sub3A_87 = arith.subi %get3A_84, %sub3A_86 : vector<16xi32>
      %ge3A_88 = arith.constant 0 : i32
      %ge3A_89 = vector.broadcast %ge3A_88 : i32 to vector<16xi32>
      %ge3A_90 = arith.cmpi sge, %sub3A_87, %ge3A_89 : vector<16xi32>
      %lt3A_91 = arith.constant 5120 : i32
      %lt3A_92 = vector.broadcast %lt3A_91 : i32 to vector<16xi32>
      %lt3A_93 = arith.cmpi slt, %sub3A_87, %lt3A_92 : vector<16xi32>
      %and3A_94 = arith.andi %ge3A_90, %lt3A_93 : vector<16xi1>
      %jit3A_95 = arith.constant 0 : i32
      %jit3A_96 = arith.constant 5119 : i32
      %max3A_97 = vector.broadcast %jit3A_95 : i32 to vector<16xi32>
      %max3A_98 = arith.maxsi %max3A_97, %sub3A_87 : vector<16xi32>
      %min3A_99 = vector.broadcast %jit3A_96 : i32 to vector<16xi32>
      %min3A_100 = arith.minsi %min3A_99, %max3A_98 : vector<16xi32>
      %shift_right_logical3A_101 = arith.constant 3 : i32
      %shift_right_logical3A_102 = vector.broadcast %shift_right_logical3A_101 : i32 to vector<16xi32>
      %shift_right_logical3A_103 = arith.shrui %min3A_100, %shift_right_logical3A_102 : vector<16xi32>
      %and3A_104 = arith.constant 7 : i32
      %and3A_105 = vector.broadcast %and3A_104 : i32 to vector<16xi32>
      %and3A_106 = arith.andi %min3A_100, %and3A_105 : vector<16xi32>
      %shift_left3A_107 = arith.constant 4 : i32
      %shift_left3A_108 = vector.broadcast %shift_left3A_107 : i32 to vector<16xi32>
      %shift_left3A_109 = arith.shli %and3A_106, %shift_left3A_108 : vector<16xi32>
      %add3A_110 = arith.addi %shift_left3A_109, %iota3A : vector<16xi32>
      tpu.vector_store_idx %arg5[%shift_right_logical3A_103, %add3A_110], %broadcast_in_dim3A_3 masked %and3A_94 {add = true} : memref<640x128xf32, #tpu.memory_space<vmem>>[vector<16xi32>, vector<16xi32>], vector<16xf32>, vector<16xi1>
      %get3A_111 = arith.index_cast %scan3A_32 : i32 to index
      %get3A_112 = arith.constant 48 : index
      %get3A_113 = tpu.vector_load %arg4[%get3A_111, %get3A_112] {strides = array<i32>} : memref<80x128xi32, #tpu.memory_space<vmem>>, vector<16xi32>,
      %sub3A_114 = arith.constant 0 : i32
      %sub3A_115 = vector.broadcast %sub3A_114 : i32 to vector<16xi32>
      %sub3A_116 = arith.subi %get3A_113, %sub3A_115 : vector<16xi32>
      %ge3A_117 = arith.constant 0 : i32
      %ge3A_118 = vector.broadcast %ge3A_117 : i32 to vector<16xi32>
      %ge3A_119 = arith.cmpi sge, %sub3A_116, %ge3A_118 : vector<16xi32>
      %lt3A_120 = arith.constant 5120 : i32
      %lt3A_121 = vector.broadcast %lt3A_120 : i32 to vector<16xi32>
      %lt3A_122 = arith.cmpi slt, %sub3A_116, %lt3A_121 : vector<16xi32>
      %and3A_123 = arith.andi %ge3A_119, %lt3A_122 : vector<16xi1>
      %jit3A_124 = arith.constant 0 : i32
      %jit3A_125 = arith.constant 5119 : i32
      %max3A_126 = vector.broadcast %jit3A_124 : i32 to vector<16xi32>
      %max3A_127 = arith.maxsi %max3A_126, %sub3A_116 : vector<16xi32>
      %min3A_128 = vector.broadcast %jit3A_125 : i32 to vector<16xi32>
      %min3A_129 = arith.minsi %min3A_128, %max3A_127 : vector<16xi32>
      %shift_right_logical3A_130 = arith.constant 3 : i32
      %shift_right_logical3A_131 = vector.broadcast %shift_right_logical3A_130 : i32 to vector<16xi32>
      %shift_right_logical3A_132 = arith.shrui %min3A_129, %shift_right_logical3A_131 : vector<16xi32>
      %and3A_133 = arith.constant 7 : i32
      %and3A_134 = vector.broadcast %and3A_133 : i32 to vector<16xi32>
      %and3A_135 = arith.andi %min3A_129, %and3A_134 : vector<16xi32>
      %shift_left3A_136 = arith.constant 4 : i32
      %shift_left3A_137 = vector.broadcast %shift_left3A_136 : i32 to vector<16xi32>
      %shift_left3A_138 = arith.shli %and3A_135, %shift_left3A_137 : vector<16xi32>
      %add3A_139 = arith.addi %shift_left3A_138, %iota3A : vector<16xi32>
      tpu.vector_store_idx %arg5[%shift_right_logical3A_132, %add3A_139], %broadcast_in_dim3A_3 masked %and3A_123 {add = true} : memref<640x128xf32, #tpu.memory_space<vmem>>[vector<16xi32>, vector<16xi32>], vector<16xf32>, vector<16xi1>
      %get3A_140 = arith.index_cast %scan3A_32 : i32 to index
      %get3A_141 = arith.constant 64 : index
      %get3A_142 = tpu.vector_load %arg4[%get3A_140, %get3A_141] {strides = array<i32>} : memref<80x128xi32, #tpu.memory_space<vmem>>, vector<16xi32>,
      %sub3A_143 = arith.constant 0 : i32
      %sub3A_144 = vector.broadcast %sub3A_143 : i32 to vector<16xi32>
      %sub3A_145 = arith.subi %get3A_142, %sub3A_144 : vector<16xi32>
      %ge3A_146 = arith.constant 0 : i32
      %ge3A_147 = vector.broadcast %ge3A_146 : i32 to vector<16xi32>
      %ge3A_148 = arith.cmpi sge, %sub3A_145, %ge3A_147 : vector<16xi32>
      %lt3A_149 = arith.constant 5120 : i32
      %lt3A_150 = vector.broadcast %lt3A_149 : i32 to vector<16xi32>
      %lt3A_151 = arith.cmpi slt, %sub3A_145, %lt3A_150 : vector<16xi32>
      %and3A_152 = arith.andi %ge3A_148, %lt3A_151 : vector<16xi1>
      %jit3A_153 = arith.constant 0 : i32
      %jit3A_154 = arith.constant 5119 : i32
      %max3A_155 = vector.broadcast %jit3A_153 : i32 to vector<16xi32>
      %max3A_156 = arith.maxsi %max3A_155, %sub3A_145 : vector<16xi32>
      %min3A_157 = vector.broadcast %jit3A_154 : i32 to vector<16xi32>
      %min3A_158 = arith.minsi %min3A_157, %max3A_156 : vector<16xi32>
      %shift_right_logical3A_159 = arith.constant 3 : i32
      %shift_right_logical3A_160 = vector.broadcast %shift_right_logical3A_159 : i32 to vector<16xi32>
      %shift_right_logical3A_161 = arith.shrui %min3A_158, %shift_right_logical3A_160 : vector<16xi32>
      %and3A_162 = arith.constant 7 : i32
      %and3A_163 = vector.broadcast %and3A_162 : i32 to vector<16xi32>
      %and3A_164 = arith.andi %min3A_158, %and3A_163 : vector<16xi32>
      %shift_left3A_165 = arith.constant 4 : i32
      %shift_left3A_166 = vector.broadcast %shift_left3A_165 : i32 to vector<16xi32>
      %shift_left3A_167 = arith.shli %and3A_164, %shift_left3A_166 : vector<16xi32>
      %add3A_168 = arith.addi %shift_left3A_167, %iota3A : vector<16xi32>
      tpu.vector_store_idx %arg5[%shift_right_logical3A_161, %add3A_168], %broadcast_in_dim3A_3 masked %and3A_152 {add = true} : memref<640x128xf32, #tpu.memory_space<vmem>>[vector<16xi32>, vector<16xi32>], vector<16xf32>, vector<16xi1>
      %get3A_169 = arith.index_cast %scan3A_32 : i32 to index
      %get3A_170 = arith.constant 80 : index
      %get3A_171 = tpu.vector_load %arg4[%get3A_169, %get3A_170] {strides = array<i32>} : memref<80x128xi32, #tpu.memory_space<vmem>>, vector<16xi32>,
      %sub3A_172 = arith.constant 0 : i32
      %sub3A_173 = vector.broadcast %sub3A_172 : i32 to vector<16xi32>
      %sub3A_174 = arith.subi %get3A_171, %sub3A_173 : vector<16xi32>
      %ge3A_175 = arith.constant 0 : i32
      %ge3A_176 = vector.broadcast %ge3A_175 : i32 to vector<16xi32>
      %ge3A_177 = arith.cmpi sge, %sub3A_174, %ge3A_176 : vector<16xi32>
      %lt3A_178 = arith.constant 5120 : i32
      %lt3A_179 = vector.broadcast %lt3A_178 : i32 to vector<16xi32>
      %lt3A_180 = arith.cmpi slt, %sub3A_174, %lt3A_179 : vector<16xi32>
      %and3A_181 = arith.andi %ge3A_177, %lt3A_180 : vector<16xi1>
      %jit3A_182 = arith.constant 0 : i32
      %jit3A_183 = arith.constant 5119 : i32
      %max3A_184 = vector.broadcast %jit3A_182 : i32 to vector<16xi32>
      %max3A_185 = arith.maxsi %max3A_184, %sub3A_174 : vector<16xi32>
      %min3A_186 = vector.broadcast %jit3A_183 : i32 to vector<16xi32>
      %min3A_187 = arith.minsi %min3A_186, %max3A_185 : vector<16xi32>
      %shift_right_logical3A_188 = arith.constant 3 : i32
      %shift_right_logical3A_189 = vector.broadcast %shift_right_logical3A_188 : i32 to vector<16xi32>
      %shift_right_logical3A_190 = arith.shrui %min3A_187, %shift_right_logical3A_189 : vector<16xi32>
      %and3A_191 = arith.constant 7 : i32
      %and3A_192 = vector.broadcast %and3A_191 : i32 to vector<16xi32>
      %and3A_193 = arith.andi %min3A_187, %and3A_192 : vector<16xi32>
      %shift_left3A_194 = arith.constant 4 : i32
      %shift_left3A_195 = vector.broadcast %shift_left3A_194 : i32 to vector<16xi32>
      %shift_left3A_196 = arith.shli %and3A_193, %shift_left3A_195 : vector<16xi32>
      %add3A_197 = arith.addi %shift_left3A_196, %iota3A : vector<16xi32>
      tpu.vector_store_idx %arg5[%shift_right_logical3A_190, %add3A_197], %broadcast_in_dim3A_3 masked %and3A_181 {add = true} : memref<640x128xf32, #tpu.memory_space<vmem>>[vector<16xi32>, vector<16xi32>], vector<16xf32>, vector<16xi1>
      %get3A_198 = arith.index_cast %scan3A_32 : i32 to index
      %get3A_199 = arith.constant 96 : index
      %get3A_200 = tpu.vector_load %arg4[%get3A_198, %get3A_199] {strides = array<i32>} : memref<80x128xi32, #tpu.memory_space<vmem>>, vector<16xi32>,
      %sub3A_201 = arith.constant 0 : i32
      %sub3A_202 = vector.broadcast %sub3A_201 : i32 to vector<16xi32>
      %sub3A_203 = arith.subi %get3A_200, %sub3A_202 : vector<16xi32>
      %ge3A_204 = arith.constant 0 : i32
      %ge3A_205 = vector.broadcast %ge3A_204 : i32 to vector<16xi32>
      %ge3A_206 = arith.cmpi sge, %sub3A_203, %ge3A_205 : vector<16xi32>
      %lt3A_207 = arith.constant 5120 : i32
      %lt3A_208 = vector.broadcast %lt3A_207 : i32 to vector<16xi32>
      %lt3A_209 = arith.cmpi slt, %sub3A_203, %lt3A_208 : vector<16xi32>
      %and3A_210 = arith.andi %ge3A_206, %lt3A_209 : vector<16xi1>
      %jit3A_211 = arith.constant 0 : i32
      %jit3A_212 = arith.constant 5119 : i32
      %max3A_213 = vector.broadcast %jit3A_211 : i32 to vector<16xi32>
      %max3A_214 = arith.maxsi %max3A_213, %sub3A_203 : vector<16xi32>
      %min3A_215 = vector.broadcast %jit3A_212 : i32 to vector<16xi32>
      %min3A_216 = arith.minsi %min3A_215, %max3A_214 : vector<16xi32>
      %shift_right_logical3A_217 = arith.constant 3 : i32
      %shift_right_logical3A_218 = vector.broadcast %shift_right_logical3A_217 : i32 to vector<16xi32>
      %shift_right_logical3A_219 = arith.shrui %min3A_216, %shift_right_logical3A_218 : vector<16xi32>
      %and3A_220 = arith.constant 7 : i32
      %and3A_221 = vector.broadcast %and3A_220 : i32 to vector<16xi32>
      %and3A_222 = arith.andi %min3A_216, %and3A_221 : vector<16xi32>
      %shift_left3A_223 = arith.constant 4 : i32
      %shift_left3A_224 = vector.broadcast %shift_left3A_223 : i32 to vector<16xi32>
      %shift_left3A_225 = arith.shli %and3A_222, %shift_left3A_224 : vector<16xi32>
      %add3A_226 = arith.addi %shift_left3A_225, %iota3A : vector<16xi32>
      tpu.vector_store_idx %arg5[%shift_right_logical3A_219, %add3A_226], %broadcast_in_dim3A_3 masked %and3A_210 {add = true} : memref<640x128xf32, #tpu.memory_space<vmem>>[vector<16xi32>, vector<16xi32>], vector<16xf32>, vector<16xi1>
      %get3A_227 = arith.index_cast %scan3A_32 : i32 to index
      %get3A_228 = arith.constant 112 : index
      %get3A_229 = tpu.vector_load %arg4[%get3A_227, %get3A_228] {strides = array<i32>} : memref<80x128xi32, #tpu.memory_space<vmem>>, vector<16xi32>,
      %sub3A_230 = arith.constant 0 : i32
      %sub3A_231 = vector.broadcast %sub3A_230 : i32 to vector<16xi32>
      %sub3A_232 = arith.subi %get3A_229, %sub3A_231 : vector<16xi32>
      %ge3A_233 = arith.constant 0 : i32
      %ge3A_234 = vector.broadcast %ge3A_233 : i32 to vector<16xi32>
      %ge3A_235 = arith.cmpi sge, %sub3A_232, %ge3A_234 : vector<16xi32>
      %lt3A_236 = arith.constant 5120 : i32
      %lt3A_237 = vector.broadcast %lt3A_236 : i32 to vector<16xi32>
      %lt3A_238 = arith.cmpi slt, %sub3A_232, %lt3A_237 : vector<16xi32>
      %and3A_239 = arith.andi %ge3A_235, %lt3A_238 : vector<16xi1>
      %jit3A_240 = arith.constant 0 : i32
      %jit3A_241 = arith.constant 5119 : i32
      %max3A_242 = vector.broadcast %jit3A_240 : i32 to vector<16xi32>
      %max3A_243 = arith.maxsi %max3A_242, %sub3A_232 : vector<16xi32>
      %min3A_244 = vector.broadcast %jit3A_241 : i32 to vector<16xi32>
      %min3A_245 = arith.minsi %min3A_244, %max3A_243 : vector<16xi32>
      %shift_right_logical3A_246 = arith.constant 3 : i32
      %shift_right_logical3A_247 = vector.broadcast %shift_right_logical3A_246 : i32 to vector<16xi32>
      %shift_right_logical3A_248 = arith.shrui %min3A_245, %shift_right_logical3A_247 : vector<16xi32>
      %and3A_249 = arith.constant 7 : i32
      %and3A_250 = vector.broadcast %and3A_249 : i32 to vector<16xi32>
      %and3A_251 = arith.andi %min3A_245, %and3A_250 : vector<16xi32>
      %shift_left3A_252 = arith.constant 4 : i32
      %shift_left3A_253 = vector.broadcast %shift_left3A_252 : i32 to vector<16xi32>
      %shift_left3A_254 = arith.shli %and3A_251, %shift_left3A_253 : vector<16xi32>
      %add3A_255 = arith.addi %shift_left3A_254, %iota3A : vector<16xi32>
      tpu.vector_store_idx %arg5[%shift_right_logical3A_248, %add3A_255], %broadcast_in_dim3A_3 masked %and3A_239 {add = true} : memref<640x128xf32, #tpu.memory_space<vmem>>[vector<16xi32>, vector<16xi32>], vector<16xf32>, vector<16xi1>
      %scan3A_256 = arith.constant 0 : i32
      scf.yield %scan3A_256 : i32
    }
    %scan3A_16 = arith.constant 80 : i32
    %run_scoped3A = arith.constant 0 : i32
    "tpu.region"() ({
      %run_scoped3A_32 = tpu.sem_alloc : memref<!tpu.dma_semaphore, #tpu.memory_space<semaphore_mem>>
      %dma_start3A = arith.constant 0 : i32
      %dma_start3A_33 = arith.constant 0 : i32
      %dma_start3A_34 = tpu.memref_slice %arg3[%arg0, %arg1, %run_scoped3A, %dma_start3A, %dma_start3A_33] : memref<2x16x2x640x128xf32, #tpu.memory_space<hbm>> -> memref<1x1x1x640x128xf32, #tpu.memory_space<hbm>>
      %dma_start3A_35 = tpu.memref_squeeze %dma_start3A_34 : memref<1x1x1x640x128xf32, #tpu.memory_space<hbm>> -> memref<640x128xf32, #tpu.memory_space<hbm>>
      %dma_start3A_36 = arith.constant 0 : i32
      %dma_start3A_37 = arith.constant 0 : i32
      %dma_start3A_38 = tpu.memref_slice %arg3[%arg0, %arg1, %run_scoped3A, %dma_start3A_36, %dma_start3A_37] : memref<2x16x2x640x128xf32, #tpu.memory_space<hbm>> -> memref<1x1x1x640x128xf32, #tpu.memory_space<hbm>>
      %dma_start3A_39 = tpu.memref_squeeze %dma_start3A_38 : memref<1x1x1x640x128xf32, #tpu.memory_space<hbm>> -> memref<640x128xf32, #tpu.memory_space<hbm>>
      tpu.enqueue_dma source(%arg5 : memref<640x128xf32, #tpu.memory_space<vmem>>) target(%dma_start3A_39 : memref<640x128xf32, #tpu.memory_space<hbm>>) target_semaphore(%run_scoped3A_32 : memref<!tpu.dma_semaphore, #tpu.memory_space<semaphore_mem>>)
      %dma_wait3A = arith.constant 0 : i32
      %dma_wait3A_40 = arith.constant 0 : i32
      %dma_wait3A_41 = tpu.memref_slice %arg3[%arg0, %arg1, %run_scoped3A, %dma_wait3A, %dma_wait3A_40] : memref<2x16x2x640x128xf32, #tpu.memory_space<hbm>> -> memref<1x1x1x640x128xf32, #tpu.memory_space<hbm>>
      %dma_wait3A_42 = tpu.memref_squeeze %dma_wait3A_41 : memref<1x1x1x640x128xf32, #tpu.memory_space<hbm>> -> memref<640x128xf32, #tpu.memory_space<hbm>>
      %dma_wait3A_43 = arith.constant 0 : i32
      %dma_wait3A_44 = arith.constant 0 : i32
      %dma_wait3A_45 = tpu.memref_slice %arg3[%arg0, %arg1, %run_scoped3A, %dma_wait3A_43, %dma_wait3A_44] : memref<2x16x2x640x128xf32, #tpu.memory_space<hbm>> -> memref<1x1x1x640x128xf32, #tpu.memory_space<hbm>>
      %dma_wait3A_46 = tpu.memref_squeeze %dma_wait3A_45 : memref<1x1x1x640x128xf32, #tpu.memory_space<hbm>> -> memref<640x128xf32, #tpu.memory_space<hbm>>
      tpu.wait_dma2 semaphore(%run_scoped3A_32 : memref<!tpu.dma_semaphore, #tpu.memory_space<semaphore_mem>>) src(%arg5 : memref<640x128xf32, #tpu.memory_space<vmem>>) dst(%dma_wait3A_46 : memref<640x128xf32, #tpu.memory_space<hbm>>)
      tpu.yield
    }) : () -> ()
    %scan3A_17 = arith.constant 0 : i32
    %scan3A_18 = arith.constant 0 : i32
    %scan3A_19 = arith.constant 640 : i32
    %scan3A_20 = arith.addi %scan3A_18, %scan3A_19 : i32
    %scan3A_21 = arith.constant 1 : i32
    %scan3A_22 = scf.for %scan3A_32 = %scan3A_18 to %scan3A_20 step %scan3A_21 iter_args(%scan3A_33 = %scan3A_17) -> (i32)  : i32 {
      %scan3A_34 = arith.constant 0 : i32
      %scan3A_35 = arith.constant 0 : i32
      %scan3A_36 = arith.constant 8 : i32
      %scan3A_37 = arith.addi %scan3A_35, %scan3A_36 : i32
      %scan3A_38 = arith.constant 1 : i32
      %scan3A_39 = scf.for %scan3A_42 = %scan3A_35 to %scan3A_37 step %scan3A_38 iter_args(%scan3A_43 = %scan3A_34) -> (i32)  : i32 {
        %mul3A_44 = arith.constant 16 : i32
        %mul3A_45 = arith.muli %scan3A_42, %mul3A_44 : i32
        %swap3A = arith.index_cast %scan3A_32 : i32 to index
        %swap3A_46 = arith.index_cast %mul3A_45 : i32 to index
        %swap3A_47 = tpu.vector_load %arg5[%swap3A, %swap3A_46] {strides = array<i32>} : memref<640x128xf32, #tpu.memory_space<vmem>>, vector<16xf32>,
        tpu.vector_store %arg5[%swap3A, %swap3A_46], %broadcast_in_dim3A_1 {strides = array<i32>} : memref<640x128xf32, #tpu.memory_space<vmem>>, vector<16xf32>,
        %scan3A_48 = arith.constant 0 : i32
        scf.yield %scan3A_48 : i32
      }
      %scan3A_40 = arith.constant 8 : i32
      %scan3A_41 = arith.constant 0 : i32
      scf.yield %scan3A_41 : i32
    }
    %scan3A_23 = arith.constant 640 : i32
    %scan3A_24 = arith.constant 0 : i32
    %scan3A_25 = arith.constant 0 : i32
    %scan3A_26 = arith.constant 80 : i32
    %scan3A_27 = arith.addi %scan3A_25, %scan3A_26 : i32
    %scan3A_28 = arith.constant 1 : i32
    %scan3A_29 = scf.for %scan3A_32 = %scan3A_25 to %scan3A_27 step %scan3A_28 iter_args(%scan3A_33 = %scan3A_24) -> (i32)  : i32 {
      %get3A = arith.index_cast %scan3A_32 : i32 to index
      %get3A_34 = arith.constant 0 : index
      %get3A_35 = tpu.vector_load %arg4[%get3A, %get3A_34] {strides = array<i32>} : memref<80x128xi32, #tpu.memory_space<vmem>>, vector<16xi32>,
      %sub3A = arith.constant 5120 : i32
      %sub3A_36 = vector.broadcast %sub3A : i32 to vector<16xi32>
      %sub3A_37 = arith.subi %get3A_35, %sub3A_36 : vector<16xi32>
      %ge3A = arith.constant 0 : i32
      %ge3A_38 = vector.broadcast %ge3A : i32 to vector<16xi32>
      %ge3A_39 = arith.cmpi sge, %sub3A_37, %ge3A_38 : vector<16xi32>
      %lt3A = arith.constant 5120 : i32
      %lt3A_40 = vector.broadcast %lt3A : i32 to vector<16xi32>
      %lt3A_41 = arith.cmpi slt, %sub3A_37, %lt3A_40 : vector<16xi32>
      %and3A = arith.andi %ge3A_39, %lt3A_41 : vector<16xi1>
      %jit3A = arith.constant 0 : i32
      %jit3A_42 = arith.constant 5119 : i32
      %max3A = vector.broadcast %jit3A : i32 to vector<16xi32>
      %max3A_43 = arith.maxsi %max3A, %sub3A_37 : vector<16xi32>
      %min3A = vector.broadcast %jit3A_42 : i32 to vector<16xi32>
      %min3A_44 = arith.minsi %min3A, %max3A_43 : vector<16xi32>
      %shift_right_logical3A = arith.constant 3 : i32
      %shift_right_logical3A_45 = vector.broadcast %shift_right_logical3A : i32 to vector<16xi32>
      %shift_right_logical3A_46 = arith.shrui %min3A_44, %shift_right_logical3A_45 : vector<16xi32>
      %and3A_47 = arith.constant 7 : i32
      %and3A_48 = vector.broadcast %and3A_47 : i32 to vector<16xi32>
      %and3A_49 = arith.andi %min3A_44, %and3A_48 : vector<16xi32>
      %shift_left3A = arith.constant 4 : i32
      %shift_left3A_50 = vector.broadcast %shift_left3A : i32 to vector<16xi32>
      %shift_left3A_51 = arith.shli %and3A_49, %shift_left3A_50 : vector<16xi32>
      %add3A_52 = arith.addi %shift_left3A_51, %iota3A : vector<16xi32>
      tpu.vector_store_idx %arg5[%shift_right_logical3A_46, %add3A_52], %broadcast_in_dim3A_3 masked %and3A {add = true} : memref<640x128xf32, #tpu.memory_space<vmem>>[vector<16xi32>, vector<16xi32>], vector<16xf32>, vector<16xi1>
      %get3A_53 = arith.index_cast %scan3A_32 : i32 to index
      %get3A_54 = arith.constant 16 : index
      %get3A_55 = tpu.vector_load %arg4[%get3A_53, %get3A_54] {strides = array<i32>} : memref<80x128xi32, #tpu.memory_space<vmem>>, vector<16xi32>,
      %sub3A_56 = arith.constant 5120 : i32
      %sub3A_57 = vector.broadcast %sub3A_56 : i32 to vector<16xi32>
      %sub3A_58 = arith.subi %get3A_55, %sub3A_57 : vector<16xi32>
      %ge3A_59 = arith.constant 0 : i32
      %ge3A_60 = vector.broadcast %ge3A_59 : i32 to vector<16xi32>
      %ge3A_61 = arith.cmpi sge, %sub3A_58, %ge3A_60 : vector<16xi32>
      %lt3A_62 = arith.constant 5120 : i32
      %lt3A_63 = vector.broadcast %lt3A_62 : i32 to vector<16xi32>
      %lt3A_64 = arith.cmpi slt, %sub3A_58, %lt3A_63 : vector<16xi32>
      %and3A_65 = arith.andi %ge3A_61, %lt3A_64 : vector<16xi1>
      %jit3A_66 = arith.constant 0 : i32
      %jit3A_67 = arith.constant 5119 : i32
      %max3A_68 = vector.broadcast %jit3A_66 : i32 to vector<16xi32>
      %max3A_69 = arith.maxsi %max3A_68, %sub3A_58 : vector<16xi32>
      %min3A_70 = vector.broadcast %jit3A_67 : i32 to vector<16xi32>
      %min3A_71 = arith.minsi %min3A_70, %max3A_69 : vector<16xi32>
      %shift_right_logical3A_72 = arith.constant 3 : i32
      %shift_right_logical3A_73 = vector.broadcast %shift_right_logical3A_72 : i32 to vector<16xi32>
      %shift_right_logical3A_74 = arith.shrui %min3A_71, %shift_right_logical3A_73 : vector<16xi32>
      %and3A_75 = arith.constant 7 : i32
      %and3A_76 = vector.broadcast %and3A_75 : i32 to vector<16xi32>
      %and3A_77 = arith.andi %min3A_71, %and3A_76 : vector<16xi32>
      %shift_left3A_78 = arith.constant 4 : i32
      %shift_left3A_79 = vector.broadcast %shift_left3A_78 : i32 to vector<16xi32>
      %shift_left3A_80 = arith.shli %and3A_77, %shift_left3A_79 : vector<16xi32>
      %add3A_81 = arith.addi %shift_left3A_80, %iota3A : vector<16xi32>
      tpu.vector_store_idx %arg5[%shift_right_logical3A_74, %add3A_81], %broadcast_in_dim3A_3 masked %and3A_65 {add = true} : memref<640x128xf32, #tpu.memory_space<vmem>>[vector<16xi32>, vector<16xi32>], vector<16xf32>, vector<16xi1>
      %get3A_82 = arith.index_cast %scan3A_32 : i32 to index
      %get3A_83 = arith.constant 32 : index
      %get3A_84 = tpu.vector_load %arg4[%get3A_82, %get3A_83] {strides = array<i32>} : memref<80x128xi32, #tpu.memory_space<vmem>>, vector<16xi32>,
      %sub3A_85 = arith.constant 5120 : i32
      %sub3A_86 = vector.broadcast %sub3A_85 : i32 to vector<16xi32>
      %sub3A_87 = arith.subi %get3A_84, %sub3A_86 : vector<16xi32>
      %ge3A_88 = arith.constant 0 : i32
      %ge3A_89 = vector.broadcast %ge3A_88 : i32 to vector<16xi32>
      %ge3A_90 = arith.cmpi sge, %sub3A_87, %ge3A_89 : vector<16xi32>
      %lt3A_91 = arith.constant 5120 : i32
      %lt3A_92 = vector.broadcast %lt3A_91 : i32 to vector<16xi32>
      %lt3A_93 = arith.cmpi slt, %sub3A_87, %lt3A_92 : vector<16xi32>
      %and3A_94 = arith.andi %ge3A_90, %lt3A_93 : vector<16xi1>
      %jit3A_95 = arith.constant 0 : i32
      %jit3A_96 = arith.constant 5119 : i32
      %max3A_97 = vector.broadcast %jit3A_95 : i32 to vector<16xi32>
      %max3A_98 = arith.maxsi %max3A_97, %sub3A_87 : vector<16xi32>
      %min3A_99 = vector.broadcast %jit3A_96 : i32 to vector<16xi32>
      %min3A_100 = arith.minsi %min3A_99, %max3A_98 : vector<16xi32>
      %shift_right_logical3A_101 = arith.constant 3 : i32
      %shift_right_logical3A_102 = vector.broadcast %shift_right_logical3A_101 : i32 to vector<16xi32>
      %shift_right_logical3A_103 = arith.shrui %min3A_100, %shift_right_logical3A_102 : vector<16xi32>
      %and3A_104 = arith.constant 7 : i32
      %and3A_105 = vector.broadcast %and3A_104 : i32 to vector<16xi32>
      %and3A_106 = arith.andi %min3A_100, %and3A_105 : vector<16xi32>
      %shift_left3A_107 = arith.constant 4 : i32
      %shift_left3A_108 = vector.broadcast %shift_left3A_107 : i32 to vector<16xi32>
      %shift_left3A_109 = arith.shli %and3A_106, %shift_left3A_108 : vector<16xi32>
      %add3A_110 = arith.addi %shift_left3A_109, %iota3A : vector<16xi32>
      tpu.vector_store_idx %arg5[%shift_right_logical3A_103, %add3A_110], %broadcast_in_dim3A_3 masked %and3A_94 {add = true} : memref<640x128xf32, #tpu.memory_space<vmem>>[vector<16xi32>, vector<16xi32>], vector<16xf32>, vector<16xi1>
      %get3A_111 = arith.index_cast %scan3A_32 : i32 to index
      %get3A_112 = arith.constant 48 : index
      %get3A_113 = tpu.vector_load %arg4[%get3A_111, %get3A_112] {strides = array<i32>} : memref<80x128xi32, #tpu.memory_space<vmem>>, vector<16xi32>,
      %sub3A_114 = arith.constant 5120 : i32
      %sub3A_115 = vector.broadcast %sub3A_114 : i32 to vector<16xi32>
      %sub3A_116 = arith.subi %get3A_113, %sub3A_115 : vector<16xi32>
      %ge3A_117 = arith.constant 0 : i32
      %ge3A_118 = vector.broadcast %ge3A_117 : i32 to vector<16xi32>
      %ge3A_119 = arith.cmpi sge, %sub3A_116, %ge3A_118 : vector<16xi32>
      %lt3A_120 = arith.constant 5120 : i32
      %lt3A_121 = vector.broadcast %lt3A_120 : i32 to vector<16xi32>
      %lt3A_122 = arith.cmpi slt, %sub3A_116, %lt3A_121 : vector<16xi32>
      %and3A_123 = arith.andi %ge3A_119, %lt3A_122 : vector<16xi1>
      %jit3A_124 = arith.constant 0 : i32
      %jit3A_125 = arith.constant 5119 : i32
      %max3A_126 = vector.broadcast %jit3A_124 : i32 to vector<16xi32>
      %max3A_127 = arith.maxsi %max3A_126, %sub3A_116 : vector<16xi32>
      %min3A_128 = vector.broadcast %jit3A_125 : i32 to vector<16xi32>
      %min3A_129 = arith.minsi %min3A_128, %max3A_127 : vector<16xi32>
      %shift_right_logical3A_130 = arith.constant 3 : i32
      %shift_right_logical3A_131 = vector.broadcast %shift_right_logical3A_130 : i32 to vector<16xi32>
      %shift_right_logical3A_132 = arith.shrui %min3A_129, %shift_right_logical3A_131 : vector<16xi32>
      %and3A_133 = arith.constant 7 : i32
      %and3A_134 = vector.broadcast %and3A_133 : i32 to vector<16xi32>
      %and3A_135 = arith.andi %min3A_129, %and3A_134 : vector<16xi32>
      %shift_left3A_136 = arith.constant 4 : i32
      %shift_left3A_137 = vector.broadcast %shift_left3A_136 : i32 to vector<16xi32>
      %shift_left3A_138 = arith.shli %and3A_135, %shift_left3A_137 : vector<16xi32>
      %add3A_139 = arith.addi %shift_left3A_138, %iota3A : vector<16xi32>
      tpu.vector_store_idx %arg5[%shift_right_logical3A_132, %add3A_139], %broadcast_in_dim3A_3 masked %and3A_123 {add = true} : memref<640x128xf32, #tpu.memory_space<vmem>>[vector<16xi32>, vector<16xi32>], vector<16xf32>, vector<16xi1>
      %get3A_140 = arith.index_cast %scan3A_32 : i32 to index
      %get3A_141 = arith.constant 64 : index
      %get3A_142 = tpu.vector_load %arg4[%get3A_140, %get3A_141] {strides = array<i32>} : memref<80x128xi32, #tpu.memory_space<vmem>>, vector<16xi32>,
      %sub3A_143 = arith.constant 5120 : i32
      %sub3A_144 = vector.broadcast %sub3A_143 : i32 to vector<16xi32>
      %sub3A_145 = arith.subi %get3A_142, %sub3A_144 : vector<16xi32>
      %ge3A_146 = arith.constant 0 : i32
      %ge3A_147 = vector.broadcast %ge3A_146 : i32 to vector<16xi32>
      %ge3A_148 = arith.cmpi sge, %sub3A_145, %ge3A_147 : vector<16xi32>
      %lt3A_149 = arith.constant 5120 : i32
      %lt3A_150 = vector.broadcast %lt3A_149 : i32 to vector<16xi32>
      %lt3A_151 = arith.cmpi slt, %sub3A_145, %lt3A_150 : vector<16xi32>
      %and3A_152 = arith.andi %ge3A_148, %lt3A_151 : vector<16xi1>
      %jit3A_153 = arith.constant 0 : i32
      %jit3A_154 = arith.constant 5119 : i32
      %max3A_155 = vector.broadcast %jit3A_153 : i32 to vector<16xi32>
      %max3A_156 = arith.maxsi %max3A_155, %sub3A_145 : vector<16xi32>
      %min3A_157 = vector.broadcast %jit3A_154 : i32 to vector<16xi32>
      %min3A_158 = arith.minsi %min3A_157, %max3A_156 : vector<16xi32>
      %shift_right_logical3A_159 = arith.constant 3 : i32
      %shift_right_logical3A_160 = vector.broadcast %shift_right_logical3A_159 : i32 to vector<16xi32>
      %shift_right_logical3A_161 = arith.shrui %min3A_158, %shift_right_logical3A_160 : vector<16xi32>
      %and3A_162 = arith.constant 7 : i32
      %and3A_163 = vector.broadcast %and3A_162 : i32 to vector<16xi32>
      %and3A_164 = arith.andi %min3A_158, %and3A_163 : vector<16xi32>
      %shift_left3A_165 = arith.constant 4 : i32
      %shift_left3A_166 = vector.broadcast %shift_left3A_165 : i32 to vector<16xi32>
      %shift_left3A_167 = arith.shli %and3A_164, %shift_left3A_166 : vector<16xi32>
      %add3A_168 = arith.addi %shift_left3A_167, %iota3A : vector<16xi32>
      tpu.vector_store_idx %arg5[%shift_right_logical3A_161, %add3A_168], %broadcast_in_dim3A_3 masked %and3A_152 {add = true} : memref<640x128xf32, #tpu.memory_space<vmem>>[vector<16xi32>, vector<16xi32>], vector<16xf32>, vector<16xi1>
      %get3A_169 = arith.index_cast %scan3A_32 : i32 to index
      %get3A_170 = arith.constant 80 : index
      %get3A_171 = tpu.vector_load %arg4[%get3A_169, %get3A_170] {strides = array<i32>} : memref<80x128xi32, #tpu.memory_space<vmem>>, vector<16xi32>,
      %sub3A_172 = arith.constant 5120 : i32
      %sub3A_173 = vector.broadcast %sub3A_172 : i32 to vector<16xi32>
      %sub3A_174 = arith.subi %get3A_171, %sub3A_173 : vector<16xi32>
      %ge3A_175 = arith.constant 0 : i32
      %ge3A_176 = vector.broadcast %ge3A_175 : i32 to vector<16xi32>
      %ge3A_177 = arith.cmpi sge, %sub3A_174, %ge3A_176 : vector<16xi32>
      %lt3A_178 = arith.constant 5120 : i32
      %lt3A_179 = vector.broadcast %lt3A_178 : i32 to vector<16xi32>
      %lt3A_180 = arith.cmpi slt, %sub3A_174, %lt3A_179 : vector<16xi32>
      %and3A_181 = arith.andi %ge3A_177, %lt3A_180 : vector<16xi1>
      %jit3A_182 = arith.constant 0 : i32
      %jit3A_183 = arith.constant 5119 : i32
      %max3A_184 = vector.broadcast %jit3A_182 : i32 to vector<16xi32>
      %max3A_185 = arith.maxsi %max3A_184, %sub3A_174 : vector<16xi32>
      %min3A_186 = vector.broadcast %jit3A_183 : i32 to vector<16xi32>
      %min3A_187 = arith.minsi %min3A_186, %max3A_185 : vector<16xi32>
      %shift_right_logical3A_188 = arith.constant 3 : i32
      %shift_right_logical3A_189 = vector.broadcast %shift_right_logical3A_188 : i32 to vector<16xi32>
      %shift_right_logical3A_190 = arith.shrui %min3A_187, %shift_right_logical3A_189 : vector<16xi32>
      %and3A_191 = arith.constant 7 : i32
      %and3A_192 = vector.broadcast %and3A_191 : i32 to vector<16xi32>
      %and3A_193 = arith.andi %min3A_187, %and3A_192 : vector<16xi32>
      %shift_left3A_194 = arith.constant 4 : i32
      %shift_left3A_195 = vector.broadcast %shift_left3A_194 : i32 to vector<16xi32>
      %shift_left3A_196 = arith.shli %and3A_193, %shift_left3A_195 : vector<16xi32>
      %add3A_197 = arith.addi %shift_left3A_196, %iota3A : vector<16xi32>
      tpu.vector_store_idx %arg5[%shift_right_logical3A_190, %add3A_197], %broadcast_in_dim3A_3 masked %and3A_181 {add = true} : memref<640x128xf32, #tpu.memory_space<vmem>>[vector<16xi32>, vector<16xi32>], vector<16xf32>, vector<16xi1>
      %get3A_198 = arith.index_cast %scan3A_32 : i32 to index
      %get3A_199 = arith.constant 96 : index
      %get3A_200 = tpu.vector_load %arg4[%get3A_198, %get3A_199] {strides = array<i32>} : memref<80x128xi32, #tpu.memory_space<vmem>>, vector<16xi32>,
      %sub3A_201 = arith.constant 5120 : i32
      %sub3A_202 = vector.broadcast %sub3A_201 : i32 to vector<16xi32>
      %sub3A_203 = arith.subi %get3A_200, %sub3A_202 : vector<16xi32>
      %ge3A_204 = arith.constant 0 : i32
      %ge3A_205 = vector.broadcast %ge3A_204 : i32 to vector<16xi32>
      %ge3A_206 = arith.cmpi sge, %sub3A_203, %ge3A_205 : vector<16xi32>
      %lt3A_207 = arith.constant 5120 : i32
      %lt3A_208 = vector.broadcast %lt3A_207 : i32 to vector<16xi32>
      %lt3A_209 = arith.cmpi slt, %sub3A_203, %lt3A_208 : vector<16xi32>
      %and3A_210 = arith.andi %ge3A_206, %lt3A_209 : vector<16xi1>
      %jit3A_211 = arith.constant 0 : i32
      %jit3A_212 = arith.constant 5119 : i32
      %max3A_213 = vector.broadcast %jit3A_211 : i32 to vector<16xi32>
      %max3A_214 = arith.maxsi %max3A_213, %sub3A_203 : vector<16xi32>
      %min3A_215 = vector.broadcast %jit3A_212 : i32 to vector<16xi32>
      %min3A_216 = arith.minsi %min3A_215, %max3A_214 : vector<16xi32>
      %shift_right_logical3A_217 = arith.constant 3 : i32
      %shift_right_logical3A_218 = vector.broadcast %shift_right_logical3A_217 : i32 to vector<16xi32>
      %shift_right_logical3A_219 = arith.shrui %min3A_216, %shift_right_logical3A_218 : vector<16xi32>
      %and3A_220 = arith.constant 7 : i32
      %and3A_221 = vector.broadcast %and3A_220 : i32 to vector<16xi32>
      %and3A_222 = arith.andi %min3A_216, %and3A_221 : vector<16xi32>
      %shift_left3A_223 = arith.constant 4 : i32
      %shift_left3A_224 = vector.broadcast %shift_left3A_223 : i32 to vector<16xi32>
      %shift_left3A_225 = arith.shli %and3A_222, %shift_left3A_224 : vector<16xi32>
      %add3A_226 = arith.addi %shift_left3A_225, %iota3A : vector<16xi32>
      tpu.vector_store_idx %arg5[%shift_right_logical3A_219, %add3A_226], %broadcast_in_dim3A_3 masked %and3A_210 {add = true} : memref<640x128xf32, #tpu.memory_space<vmem>>[vector<16xi32>, vector<16xi32>], vector<16xf32>, vector<16xi1>
      %get3A_227 = arith.index_cast %scan3A_32 : i32 to index
      %get3A_228 = arith.constant 112 : index
      %get3A_229 = tpu.vector_load %arg4[%get3A_227, %get3A_228] {strides = array<i32>} : memref<80x128xi32, #tpu.memory_space<vmem>>, vector<16xi32>,
      %sub3A_230 = arith.constant 5120 : i32
      %sub3A_231 = vector.broadcast %sub3A_230 : i32 to vector<16xi32>
      %sub3A_232 = arith.subi %get3A_229, %sub3A_231 : vector<16xi32>
      %ge3A_233 = arith.constant 0 : i32
      %ge3A_234 = vector.broadcast %ge3A_233 : i32 to vector<16xi32>
      %ge3A_235 = arith.cmpi sge, %sub3A_232, %ge3A_234 : vector<16xi32>
      %lt3A_236 = arith.constant 5120 : i32
      %lt3A_237 = vector.broadcast %lt3A_236 : i32 to vector<16xi32>
      %lt3A_238 = arith.cmpi slt, %sub3A_232, %lt3A_237 : vector<16xi32>
      %and3A_239 = arith.andi %ge3A_235, %lt3A_238 : vector<16xi1>
      %jit3A_240 = arith.constant 0 : i32
      %jit3A_241 = arith.constant 5119 : i32
      %max3A_242 = vector.broadcast %jit3A_240 : i32 to vector<16xi32>
      %max3A_243 = arith.maxsi %max3A_242, %sub3A_232 : vector<16xi32>
      %min3A_244 = vector.broadcast %jit3A_241 : i32 to vector<16xi32>
      %min3A_245 = arith.minsi %min3A_244, %max3A_243 : vector<16xi32>
      %shift_right_logical3A_246 = arith.constant 3 : i32
      %shift_right_logical3A_247 = vector.broadcast %shift_right_logical3A_246 : i32 to vector<16xi32>
      %shift_right_logical3A_248 = arith.shrui %min3A_245, %shift_right_logical3A_247 : vector<16xi32>
      %and3A_249 = arith.constant 7 : i32
      %and3A_250 = vector.broadcast %and3A_249 : i32 to vector<16xi32>
      %and3A_251 = arith.andi %min3A_245, %and3A_250 : vector<16xi32>
      %shift_left3A_252 = arith.constant 4 : i32
      %shift_left3A_253 = vector.broadcast %shift_left3A_252 : i32 to vector<16xi32>
      %shift_left3A_254 = arith.shli %and3A_251, %shift_left3A_253 : vector<16xi32>
      %add3A_255 = arith.addi %shift_left3A_254, %iota3A : vector<16xi32>
      tpu.vector_store_idx %arg5[%shift_right_logical3A_248, %add3A_255], %broadcast_in_dim3A_3 masked %and3A_239 {add = true} : memref<640x128xf32, #tpu.memory_space<vmem>>[vector<16xi32>, vector<16xi32>], vector<16xf32>, vector<16xi1>
      %scan3A_256 = arith.constant 0 : i32
      scf.yield %scan3A_256 : i32
    }
    %scan3A_30 = arith.constant 80 : i32
    %run_scoped3A_31 = arith.constant 1 : i32
    "tpu.region"() ({
      %run_scoped3A_32 = tpu.sem_alloc : memref<!tpu.dma_semaphore, #tpu.memory_space<semaphore_mem>>
      %dma_start3A = arith.constant 0 : i32
      %dma_start3A_33 = arith.constant 0 : i32
      %dma_start3A_34 = tpu.memref_slice %arg3[%arg0, %arg1, %run_scoped3A_31, %dma_start3A, %dma_start3A_33] : memref<2x16x2x640x128xf32, #tpu.memory_space<hbm>> -> memref<1x1x1x640x128xf32, #tpu.memory_space<hbm>>
      %dma_start3A_35 = tpu.memref_squeeze %dma_start3A_34 : memref<1x1x1x640x128xf32, #tpu.memory_space<hbm>> -> memref<640x128xf32, #tpu.memory_space<hbm>>
      %dma_start3A_36 = arith.constant 0 : i32
      %dma_start3A_37 = arith.constant 0 : i32
      %dma_start3A_38 = tpu.memref_slice %arg3[%arg0, %arg1, %run_scoped3A_31, %dma_start3A_36, %dma_start3A_37] : memref<2x16x2x640x128xf32, #tpu.memory_space<hbm>> -> memref<1x1x1x640x128xf32, #tpu.memory_space<hbm>>
      %dma_start3A_39 = tpu.memref_squeeze %dma_start3A_38 : memref<1x1x1x640x128xf32, #tpu.memory_space<hbm>> -> memref<640x128xf32, #tpu.memory_space<hbm>>
      tpu.enqueue_dma source(%arg5 : memref<640x128xf32, #tpu.memory_space<vmem>>) target(%dma_start3A_39 : memref<640x128xf32, #tpu.memory_space<hbm>>) target_semaphore(%run_scoped3A_32 : memref<!tpu.dma_semaphore, #tpu.memory_space<semaphore_mem>>)
      %dma_wait3A = arith.constant 0 : i32
      %dma_wait3A_40 = arith.constant 0 : i32
      %dma_wait3A_41 = tpu.memref_slice %arg3[%arg0, %arg1, %run_scoped3A_31, %dma_wait3A, %dma_wait3A_40] : memref<2x16x2x640x128xf32, #tpu.memory_space<hbm>> -> memref<1x1x1x640x128xf32, #tpu.memory_space<hbm>>
      %dma_wait3A_42 = tpu.memref_squeeze %dma_wait3A_41 : memref<1x1x1x640x128xf32, #tpu.memory_space<hbm>> -> memref<640x128xf32, #tpu.memory_space<hbm>>
      %dma_wait3A_43 = arith.constant 0 : i32
      %dma_wait3A_44 = arith.constant 0 : i32
      %dma_wait3A_45 = tpu.memref_slice %arg3[%arg0, %arg1, %run_scoped3A_31, %dma_wait3A_43, %dma_wait3A_44] : memref<2x16x2x640x128xf32, #tpu.memory_space<hbm>> -> memref<1x1x1x640x128xf32, #tpu.memory_space<hbm>>
      %dma_wait3A_46 = tpu.memref_squeeze %dma_wait3A_45 : memref<1x1x1x640x128xf32, #tpu.memory_space<hbm>> -> memref<640x128xf32, #tpu.memory_space<hbm>>
      tpu.wait_dma2 semaphore(%run_scoped3A_32 : memref<!tpu.dma_semaphore, #tpu.memory_space<semaphore_mem>>) src(%arg5 : memref<640x128xf32, #tpu.memory_space<vmem>>) dst(%dma_wait3A_46 : memref<640x128xf32, #tpu.memory_space<hbm>>)
      tpu.yield
    }) : () -> ()
    return
  }
}

#map = affine_map<(d0, d1) -> (0, 0)>
#map1 = affine_map<(d0, d1) -> (0, 0, 0)>
module attributes {stable_mosaic.version = 14 : i64} {
  func.func @_sc_aggregate(%arg0: i32, %arg1: i32, %arg2: memref<10240x128xf32, #tpu.memory_space<hbm>>, %arg3: memref<32x80x128xi32, #tpu.memory_space<hbm>>, %arg4: memref<32x80x128xi32, #tpu.memory_space<hbm>>, %arg5: memref<2x10240x128xf32, #tpu.memory_space<hbm>>, %arg6: memref<2x128xi32, #tpu.memory_space<vmem>>, %arg7: memref<80x128xi32, #tpu.memory_space<vmem>>, %arg8: memref<128x128xf32, #tpu.memory_space<vmem>>, %arg9: memref<128x128xf32, #tpu.memory_space<vmem>>, %arg10: memref<10240x128xf32, #tpu.memory_space<vmem_shared>>, %arg11: memref<!tpu.dma_semaphore, #tpu.memory_space<semaphore_mem>>, %arg12: memref<!tpu.dma_semaphore, #tpu.memory_space<semaphore_mem>>) attributes {dimension_semantics = [#tpu.dimension_semantics<core_parallel>, #tpu.dimension_semantics<subcore_parallel>], iteration_bounds = array<i64: 2, 16>, scalar_prefetch = 0 : i64, scratch_operands = 7 : i64, tpu.core_type = #tpu.core_type<sc_vector_subcore>, window_params = [{transform_indices = #map}, {transform_indices = #map1}, {transform_indices = #map1}, {transform_indices = #map1}]} {
    %mul3A = arith.constant 16 : i32
    %mul3A_0 = arith.muli %arg0, %mul3A : i32
    %add3A = arith.addi %mul3A_0, %arg1 : i32
    %broadcast_in_dim3A = arith.constant 0.000000e+00 : f32
    %broadcast_in_dim3A_1 = vector.broadcast %broadcast_in_dim3A : f32 to vector<16xf32>
    %dma_start3A = arith.constant 0 : i32
    %dma_start3A_2 = arith.constant 0 : i32
    %dma_start3A_3 = tpu.memref_slice %arg4[%add3A, %dma_start3A, %dma_start3A_2] : memref<32x80x128xi32, #tpu.memory_space<hbm>> -> memref<1x80x128xi32, #tpu.memory_space<hbm>>
    %dma_start3A_4 = tpu.memref_squeeze %dma_start3A_3 : memref<1x80x128xi32, #tpu.memory_space<hbm>> -> memref<80x128xi32, #tpu.memory_space<hbm>>
    %dma_start3A_5 = arith.constant 0 : i32
    %dma_start3A_6 = arith.constant 0 : i32
    %dma_start3A_7 = tpu.memref_slice %arg4[%add3A, %dma_start3A_5, %dma_start3A_6] : memref<32x80x128xi32, #tpu.memory_space<hbm>> -> memref<1x80x128xi32, #tpu.memory_space<hbm>>
    %dma_start3A_8 = tpu.memref_squeeze %dma_start3A_7 : memref<1x80x128xi32, #tpu.memory_space<hbm>> -> memref<80x128xi32, #tpu.memory_space<hbm>>
    tpu.enqueue_dma source(%dma_start3A_8 : memref<80x128xi32, #tpu.memory_space<hbm>>) target(%arg7 : memref<80x128xi32, #tpu.memory_space<vmem>>) target_semaphore(%arg12 : memref<!tpu.dma_semaphore, #tpu.memory_space<semaphore_mem>>)
    %scan3A = arith.constant 0 : i32
    %scan3A_9 = arith.constant 0 : i32
    %scan3A_10 = arith.constant 128 : i32
    %scan3A_11 = arith.addi %scan3A_9, %scan3A_10 : i32
    %scan3A_12 = arith.constant 1 : i32
    %scan3A_13 = scf.for %scan3A_88 = %scan3A_9 to %scan3A_11 step %scan3A_12 iter_args(%scan3A_89 = %scan3A) -> (i32)  : i32 {
      %scan3A_90 = arith.constant 0 : i32
      %scan3A_91 = arith.constant 0 : i32
      %scan3A_92 = arith.constant 8 : i32
      %scan3A_93 = arith.addi %scan3A_91, %scan3A_92 : i32
      %scan3A_94 = arith.constant 1 : i32
      %scan3A_95 = scf.for %scan3A_98 = %scan3A_91 to %scan3A_93 step %scan3A_94 iter_args(%scan3A_99 = %scan3A_90) -> (i32)  : i32 {
        %mul3A_100 = arith.constant 16 : i32
        %mul3A_101 = arith.muli %scan3A_98, %mul3A_100 : i32
        %swap3A = arith.index_cast %scan3A_88 : i32 to index
        %swap3A_102 = arith.index_cast %mul3A_101 : i32 to index
        %swap3A_103 = tpu.vector_load %arg8[%swap3A, %swap3A_102] {strides = array<i32>} : memref<128x128xf32, #tpu.memory_space<vmem>>, vector<16xf32>,
        tpu.vector_store %arg8[%swap3A, %swap3A_102], %broadcast_in_dim3A_1 {strides = array<i32>} : memref<128x128xf32, #tpu.memory_space<vmem>>, vector<16xf32>,
        %scan3A_104 = arith.constant 0 : i32
        scf.yield %scan3A_104 : i32
      }
      %scan3A_96 = arith.constant 8 : i32
      %scan3A_97 = arith.constant 0 : i32
      scf.yield %scan3A_97 : i32
    }
    %scan3A_14 = arith.constant 128 : i32
    %mul3A_15 = arith.constant 640 : i32
    %mul3A_16 = arith.muli %arg1, %mul3A_15 : i32
    %scan3A_17 = arith.constant 0 : i32
    %scan3A_18 = arith.constant 0 : i32
    %scan3A_19 = arith.constant 5 : i32
    %scan3A_20 = arith.addi %scan3A_18, %scan3A_19 : i32
    %scan3A_21 = arith.constant 1 : i32
    %scan3A_22 = scf.for %scan3A_88 = %scan3A_18 to %scan3A_20 step %scan3A_21 iter_args(%scan3A_89 = %scan3A_17) -> (i32)  : i32 {
      %mul3A_90 = arith.constant 128 : i32
      %mul3A_91 = arith.muli %scan3A_88, %mul3A_90 : i32
      %add3A_92 = arith.addi %mul3A_16, %mul3A_91 : i32
      "tpu.region"() ({
        %run_scoped3A = tpu.sem_alloc : memref<!tpu.dma_semaphore, #tpu.memory_space<semaphore_mem>>
        %dma_start3A_94 = arith.constant 0 : i32
        %dma_start3A_95 = tpu.memref_slice %arg10[%add3A_92, %dma_start3A_94] : memref<10240x128xf32, #tpu.memory_space<vmem_shared>> -> memref<128x128xf32, #tpu.memory_space<vmem_shared>>
        %dma_start3A_96 = arith.constant 0 : i32
        %dma_start3A_97 = tpu.memref_slice %arg10[%add3A_92, %dma_start3A_96] : memref<10240x128xf32, #tpu.memory_space<vmem_shared>> -> memref<128x128xf32, #tpu.memory_space<vmem_shared>>
        tpu.enqueue_dma source(%arg8 : memref<128x128xf32, #tpu.memory_space<vmem>>) target(%dma_start3A_97 : memref<128x128xf32, #tpu.memory_space<vmem_shared>>) target_semaphore(%run_scoped3A : memref<!tpu.dma_semaphore, #tpu.memory_space<semaphore_mem>>)
        %dma_wait3A_98 = arith.constant 0 : i32
        %dma_wait3A_99 = tpu.memref_slice %arg10[%add3A_92, %dma_wait3A_98] : memref<10240x128xf32, #tpu.memory_space<vmem_shared>> -> memref<128x128xf32, #tpu.memory_space<vmem_shared>>
        %dma_wait3A_100 = arith.constant 0 : i32
        %dma_wait3A_101 = tpu.memref_slice %arg10[%add3A_92, %dma_wait3A_100] : memref<10240x128xf32, #tpu.memory_space<vmem_shared>> -> memref<128x128xf32, #tpu.memory_space<vmem_shared>>
        tpu.wait_dma2 semaphore(%run_scoped3A : memref<!tpu.dma_semaphore, #tpu.memory_space<semaphore_mem>>) src(%arg8 : memref<128x128xf32, #tpu.memory_space<vmem>>) dst(%dma_wait3A_101 : memref<128x128xf32, #tpu.memory_space<vmem_shared>>)
        tpu.yield
      }) : () -> ()
      %scan3A_93 = arith.constant 0 : i32
      scf.yield %scan3A_93 : i32
    }
    %scan3A_23 = arith.constant 5 : i32
    %dma_wait3A = arith.constant 0 : i32
    %dma_wait3A_24 = arith.constant 0 : i32
    %dma_wait3A_25 = tpu.memref_slice %arg4[%add3A, %dma_wait3A, %dma_wait3A_24] : memref<32x80x128xi32, #tpu.memory_space<hbm>> -> memref<1x80x128xi32, #tpu.memory_space<hbm>>
    %dma_wait3A_26 = tpu.memref_squeeze %dma_wait3A_25 : memref<1x80x128xi32, #tpu.memory_space<hbm>> -> memref<80x128xi32, #tpu.memory_space<hbm>>
    %dma_wait3A_27 = arith.constant 0 : i32
    %dma_wait3A_28 = arith.constant 0 : i32
    %dma_wait3A_29 = tpu.memref_slice %arg4[%add3A, %dma_wait3A_27, %dma_wait3A_28] : memref<32x80x128xi32, #tpu.memory_space<hbm>> -> memref<1x80x128xi32, #tpu.memory_space<hbm>>
    %dma_wait3A_30 = tpu.memref_squeeze %dma_wait3A_29 : memref<1x80x128xi32, #tpu.memory_space<hbm>> -> memref<80x128xi32, #tpu.memory_space<hbm>>
    tpu.wait_dma2 semaphore(%arg12 : memref<!tpu.dma_semaphore, #tpu.memory_space<semaphore_mem>>) src(%dma_wait3A_30 : memref<80x128xi32, #tpu.memory_space<hbm>>) dst(%arg7 : memref<80x128xi32, #tpu.memory_space<vmem>>)
    %barrier3A = arith.constant 0 : index
    tpu.barrier barrier_id(%barrier3A)
    %dma_start3A_31 = arith.constant 0 : i32
    %dma_start3A_32 = arith.constant 0 : i32
    %dma_start3A_33 = arith.constant 0 : i32
    %dma_start3A_34 = tpu.memref_slice %arg6[%dma_start3A_32, %dma_start3A_33] : memref<2x128xi32, #tpu.memory_space<vmem>> -> memref<1x128xi32, #tpu.memory_space<vmem>>
    %dma_start3A_35 = tpu.memref_squeeze %dma_start3A_34 : memref<1x128xi32, #tpu.memory_space<vmem>> -> memref<128xi32, #tpu.memory_space<vmem>>
    %dma_start3A_36 = arith.constant 0 : i32
    %dma_start3A_37 = tpu.memref_slice %arg3[%add3A, %dma_start3A_31, %dma_start3A_36] : memref<32x80x128xi32, #tpu.memory_space<hbm>> -> memref<1x1x128xi32, #tpu.memory_space<hbm>>
    %dma_start3A_38 = tpu.memref_squeeze %dma_start3A_37 : memref<1x1x128xi32, #tpu.memory_space<hbm>> -> memref<128xi32, #tpu.memory_space<hbm>>
    %dma_start3A_39 = arith.constant 0 : i32
    %dma_start3A_40 = tpu.memref_slice %arg6[%dma_start3A_32, %dma_start3A_39] : memref<2x128xi32, #tpu.memory_space<vmem>> -> memref<1x128xi32, #tpu.memory_space<vmem>>
    %dma_start3A_41 = tpu.memref_squeeze %dma_start3A_40 : memref<1x128xi32, #tpu.memory_space<vmem>> -> memref<128xi32, #tpu.memory_space<vmem>>
    %dma_start3A_42 = arith.constant 0 : i32
    %dma_start3A_43 = tpu.memref_slice %arg3[%add3A, %dma_start3A_31, %dma_start3A_42] : memref<32x80x128xi32, #tpu.memory_space<hbm>> -> memref<1x1x128xi32, #tpu.memory_space<hbm>>
    %dma_start3A_44 = tpu.memref_squeeze %dma_start3A_43 : memref<1x1x128xi32, #tpu.memory_space<hbm>> -> memref<128xi32, #tpu.memory_space<hbm>>
    tpu.enqueue_dma source(%dma_start3A_44 : memref<128xi32, #tpu.memory_space<hbm>>) target(%dma_start3A_41 : memref<128xi32, #tpu.memory_space<vmem>>) target_semaphore(%arg12 : memref<!tpu.dma_semaphore, #tpu.memory_space<semaphore_mem>>)
    %dma_wait3A_45 = arith.constant 0 : i32
    %dma_wait3A_46 = arith.constant 0 : i32
    %dma_wait3A_47 = arith.constant 0 : i32
    %dma_wait3A_48 = tpu.memref_slice %arg6[%dma_wait3A_46, %dma_wait3A_47] : memref<2x128xi32, #tpu.memory_space<vmem>> -> memref<1x128xi32, #tpu.memory_space<vmem>>
    %dma_wait3A_49 = tpu.memref_squeeze %dma_wait3A_48 : memref<1x128xi32, #tpu.memory_space<vmem>> -> memref<128xi32, #tpu.memory_space<vmem>>
    %dma_wait3A_50 = arith.constant 0 : i32
    %dma_wait3A_51 = tpu.memref_slice %arg3[%add3A, %dma_wait3A_45, %dma_wait3A_50] : memref<32x80x128xi32, #tpu.memory_space<hbm>> -> memref<1x1x128xi32, #tpu.memory_space<hbm>>
    %dma_wait3A_52 = tpu.memref_squeeze %dma_wait3A_51 : memref<1x1x128xi32, #tpu.memory_space<hbm>> -> memref<128xi32, #tpu.memory_space<hbm>>
    %dma_wait3A_53 = arith.constant 0 : i32
    %dma_wait3A_54 = tpu.memref_slice %arg6[%dma_wait3A_46, %dma_wait3A_53] : memref<2x128xi32, #tpu.memory_space<vmem>> -> memref<1x128xi32, #tpu.memory_space<vmem>>
    %dma_wait3A_55 = tpu.memref_squeeze %dma_wait3A_54 : memref<1x128xi32, #tpu.memory_space<vmem>> -> memref<128xi32, #tpu.memory_space<vmem>>
    %dma_wait3A_56 = arith.constant 0 : i32
    %dma_wait3A_57 = tpu.memref_slice %arg3[%add3A, %dma_wait3A_45, %dma_wait3A_56] : memref<32x80x128xi32, #tpu.memory_space<hbm>> -> memref<1x1x128xi32, #tpu.memory_space<hbm>>
    %dma_wait3A_58 = tpu.memref_squeeze %dma_wait3A_57 : memref<1x1x128xi32, #tpu.memory_space<hbm>> -> memref<128xi32, #tpu.memory_space<hbm>>
    tpu.wait_dma2 semaphore(%arg12 : memref<!tpu.dma_semaphore, #tpu.memory_space<semaphore_mem>>) src(%dma_wait3A_58 : memref<128xi32, #tpu.memory_space<hbm>>) dst(%dma_wait3A_55 : memref<128xi32, #tpu.memory_space<vmem>>)
    %dma_start3A_59 = arith.constant 0 : i32
    %dma_start3A_60 = arith.constant 0 : i32
    %dma_start3A_61 = tpu.memref_slice %arg6[%dma_start3A_59, %dma_start3A_60] : memref<2x128xi32, #tpu.memory_space<vmem>> -> memref<1x128xi32, #tpu.memory_space<vmem>>
    %dma_start3A_62 = tpu.memref_squeeze %dma_start3A_61 : memref<1x128xi32, #tpu.memory_space<vmem>> -> memref<128xi32, #tpu.memory_space<vmem>>
    %dma_start3A_63 = arith.constant 0 : i32
    %dma_start3A_64 = arith.constant 0 : i32
    %dma_start3A_65 = tpu.memref_slice %arg2[%dma_start3A_63, %dma_start3A_64] : memref<10240x128xf32, #tpu.memory_space<hbm>> -> memref<10240x128xf32, #tpu.memory_space<hbm>>
    tpu.enqueue_indirect_dma source(%dma_start3A_65 : memref<10240x128xf32, #tpu.memory_space<hbm>>) target(%arg8 : memref<128x128xf32, #tpu.memory_space<vmem>>) offsets(%dma_start3A_62 : memref<128xi32, #tpu.memory_space<vmem>>) semaphore(%arg11 : memref<!tpu.dma_semaphore, #tpu.memory_space<semaphore_mem>>)
    %dma_start3A_66 = arith.constant 1 : i32
    %dma_start3A_67 = arith.constant 1 : i32
    %dma_start3A_68 = arith.constant 0 : i32
    %dma_start3A_69 = tpu.memref_slice %arg6[%dma_start3A_67, %dma_start3A_68] : memref<2x128xi32, #tpu.memory_space<vmem>> -> memref<1x128xi32, #tpu.memory_space<vmem>>
    %dma_start3A_70 = tpu.memref_squeeze %dma_start3A_69 : memref<1x128xi32, #tpu.memory_space<vmem>> -> memref<128xi32, #tpu.memory_space<vmem>>
    %dma_start3A_71 = arith.constant 0 : i32
    %dma_start3A_72 = tpu.memref_slice %arg3[%add3A, %dma_start3A_66, %dma_start3A_71] : memref<32x80x128xi32, #tpu.memory_space<hbm>> -> memref<1x1x128xi32, #tpu.memory_space<hbm>>
    %dma_start3A_73 = tpu.memref_squeeze %dma_start3A_72 : memref<1x1x128xi32, #tpu.memory_space<hbm>> -> memref<128xi32, #tpu.memory_space<hbm>>
    %dma_start3A_74 = arith.constant 0 : i32
    %dma_start3A_75 = tpu.memref_slice %arg6[%dma_start3A_67, %dma_start3A_74] : memref<2x128xi32, #tpu.memory_space<vmem>> -> memref<1x128xi32, #tpu.memory_space<vmem>>
    %dma_start3A_76 = tpu.memref_squeeze %dma_start3A_75 : memref<1x128xi32, #tpu.memory_space<vmem>> -> memref<128xi32, #tpu.memory_space<vmem>>
    %dma_start3A_77 = arith.constant 0 : i32
    %dma_start3A_78 = tpu.memref_slice %arg3[%add3A, %dma_start3A_66, %dma_start3A_77] : memref<32x80x128xi32, #tpu.memory_space<hbm>> -> memref<1x1x128xi32, #tpu.memory_space<hbm>>
    %dma_start3A_79 = tpu.memref_squeeze %dma_start3A_78 : memref<1x1x128xi32, #tpu.memory_space<hbm>> -> memref<128xi32, #tpu.memory_space<hbm>>
    tpu.enqueue_dma source(%dma_start3A_79 : memref<128xi32, #tpu.memory_space<hbm>>) target(%dma_start3A_76 : memref<128xi32, #tpu.memory_space<vmem>>) target_semaphore(%arg12 : memref<!tpu.dma_semaphore, #tpu.memory_space<semaphore_mem>>)
    %scan3A_80 = arith.constant 0 : i32
    %scan3A_81 = arith.constant 0 : i32
    %scan3A_82 = arith.constant 80 : i32
    %scan3A_83 = arith.addi %scan3A_81, %scan3A_82 : i32
    %scan3A_84 = arith.constant 1 : i32
    %scan3A_85 = scf.for %scan3A_88 = %scan3A_81 to %scan3A_83 step %scan3A_84 iter_args(%scan3A_89 = %scan3A_80) -> (i32)  : i32 {
      %rem3A = arith.constant 2 : i32
      %rem3A_90 = arith.remsi %scan3A_88, %rem3A : i32
      %sub3A = arith.constant 1 : i32
      %sub3A_91 = arith.subi %sub3A, %rem3A_90 : i32
      %add3A_92 = arith.constant 1 : i32
      %add3A_93 = arith.addi %scan3A_88, %add3A_92 : i32
      %lt3A = arith.constant 80 : i32
      %lt3A_94 = arith.cmpi slt, %add3A_93, %lt3A : i32
      %convert_element_type3A = arith.extui %lt3A_94 : i1 to i32
      %cond3A = arith.constant 0 : i32
      %cond3A_95 = arith.cmpi ne, %convert_element_type3A, %cond3A : i32
      scf.if %cond3A_95 {
        %dma_wait3A_120 = arith.constant 0 : i32
        %dma_wait3A_121 = arith.constant 0 : i32
        %dma_wait3A_122 = arith.constant 0 : i32
        %dma_wait3A_123 = tpu.memref_slice %arg6[%dma_wait3A_121, %dma_wait3A_122] : memref<2x128xi32, #tpu.memory_space<vmem>> -> memref<1x128xi32, #tpu.memory_space<vmem>>
        %dma_wait3A_124 = tpu.memref_squeeze %dma_wait3A_123 : memref<1x128xi32, #tpu.memory_space<vmem>> -> memref<128xi32, #tpu.memory_space<vmem>>
        %dma_wait3A_125 = arith.constant 0 : i32
        %dma_wait3A_126 = tpu.memref_slice %arg3[%add3A, %dma_wait3A_120, %dma_wait3A_125] : memref<32x80x128xi32, #tpu.memory_space<hbm>> -> memref<1x1x128xi32, #tpu.memory_space<hbm>>
        %dma_wait3A_127 = tpu.memref_squeeze %dma_wait3A_126 : memref<1x1x128xi32, #tpu.memory_space<hbm>> -> memref<128xi32, #tpu.memory_space<hbm>>
        %dma_wait3A_128 = arith.constant 0 : i32
        %dma_wait3A_129 = tpu.memref_slice %arg6[%dma_wait3A_121, %dma_wait3A_128] : memref<2x128xi32, #tpu.memory_space<vmem>> -> memref<1x128xi32, #tpu.memory_space<vmem>>
        %dma_wait3A_130 = tpu.memref_squeeze %dma_wait3A_129 : memref<1x128xi32, #tpu.memory_space<vmem>> -> memref<128xi32, #tpu.memory_space<vmem>>
        %dma_wait3A_131 = arith.constant 0 : i32
        %dma_wait3A_132 = tpu.memref_slice %arg3[%add3A, %dma_wait3A_120, %dma_wait3A_131] : memref<32x80x128xi32, #tpu.memory_space<hbm>> -> memref<1x1x128xi32, #tpu.memory_space<hbm>>
        %dma_wait3A_133 = tpu.memref_squeeze %dma_wait3A_132 : memref<1x1x128xi32, #tpu.memory_space<hbm>> -> memref<128xi32, #tpu.memory_space<hbm>>
        tpu.wait_dma2 semaphore(%arg12 : memref<!tpu.dma_semaphore, #tpu.memory_space<semaphore_mem>>) src(%dma_wait3A_133 : memref<128xi32, #tpu.memory_space<hbm>>) dst(%dma_wait3A_130 : memref<128xi32, #tpu.memory_space<vmem>>)
        %eq3A_134 = arith.constant 0 : i32
        %eq3A_135 = arith.cmpi eq, %sub3A_91, %eq3A_134 : i32
        %convert_element_type3A_136 = arith.extui %eq3A_135 : i1 to i32
        %cond3A_137 = arith.constant 0 : i32
        %cond3A_138 = arith.cmpi ne, %convert_element_type3A_136, %cond3A_137 : i32
        scf.if %cond3A_138 {
          %dma_start3A_144 = arith.constant 0 : i32
          %dma_start3A_145 = arith.constant 0 : i32
          %dma_start3A_146 = tpu.memref_slice %arg6[%dma_start3A_144, %dma_start3A_145] : memref<2x128xi32, #tpu.memory_space<vmem>> -> memref<1x128xi32, #tpu.memory_space<vmem>>
          %dma_start3A_147 = tpu.memref_squeeze %dma_start3A_146 : memref<1x128xi32, #tpu.memory_space<vmem>> -> memref<128xi32, #tpu.memory_space<vmem>>
          %dma_start3A_148 = arith.constant 0 : i32
          %dma_start3A_149 = arith.constant 0 : i32
          %dma_start3A_150 = tpu.memref_slice %arg2[%dma_start3A_148, %dma_start3A_149] : memref<10240x128xf32, #tpu.memory_space<hbm>> -> memref<10240x128xf32, #tpu.memory_space<hbm>>
          tpu.enqueue_indirect_dma source(%dma_start3A_150 : memref<10240x128xf32, #tpu.memory_space<hbm>>) target(%arg8 : memref<128x128xf32, #tpu.memory_space<vmem>>) offsets(%dma_start3A_147 : memref<128xi32, #tpu.memory_space<vmem>>) semaphore(%arg11 : memref<!tpu.dma_semaphore, #tpu.memory_space<semaphore_mem>>)
        } else {
        }
        %eq3A_139 = arith.constant 1 : i32
        %eq3A_140 = arith.cmpi eq, %sub3A_91, %eq3A_139 : i32
        %convert_element_type3A_141 = arith.extui %eq3A_140 : i1 to i32
        %cond3A_142 = arith.constant 0 : i32
        %cond3A_143 = arith.cmpi ne, %convert_element_type3A_141, %cond3A_142 : i32
        scf.if %cond3A_143 {
          %dma_start3A_144 = arith.constant 1 : i32
          %dma_start3A_145 = arith.constant 0 : i32
          %dma_start3A_146 = tpu.memref_slice %arg6[%dma_start3A_144, %dma_start3A_145] : memref<2x128xi32, #tpu.memory_space<vmem>> -> memref<1x128xi32, #tpu.memory_space<vmem>>
          %dma_start3A_147 = tpu.memref_squeeze %dma_start3A_146 : memref<1x128xi32, #tpu.memory_space<vmem>> -> memref<128xi32, #tpu.memory_space<vmem>>
          %dma_start3A_148 = arith.constant 0 : i32
          %dma_start3A_149 = arith.constant 0 : i32
          %dma_start3A_150 = tpu.memref_slice %arg2[%dma_start3A_148, %dma_start3A_149] : memref<10240x128xf32, #tpu.memory_space<hbm>> -> memref<10240x128xf32, #tpu.memory_space<hbm>>
          tpu.enqueue_indirect_dma source(%dma_start3A_150 : memref<10240x128xf32, #tpu.memory_space<hbm>>) target(%arg9 : memref<128x128xf32, #tpu.memory_space<vmem>>) offsets(%dma_start3A_147 : memref<128xi32, #tpu.memory_space<vmem>>) semaphore(%arg11 : memref<!tpu.dma_semaphore, #tpu.memory_space<semaphore_mem>>)
        } else {
        }
      } else {
      }
      %dma_wait3A_96 = arith.constant 0 : i32
      %dma_wait3A_97 = arith.constant 0 : i32
      %dma_wait3A_98 = tpu.memref_slice %arg6[%dma_wait3A_96, %dma_wait3A_97] : memref<2x128xi32, #tpu.memory_space<vmem>> -> memref<1x128xi32, #tpu.memory_space<vmem>>
      %dma_wait3A_99 = tpu.memref_squeeze %dma_wait3A_98 : memref<1x128xi32, #tpu.memory_space<vmem>> -> memref<128xi32, #tpu.memory_space<vmem>>
      %dma_wait3A_100 = arith.constant 0 : i32
      %dma_wait3A_101 = arith.constant 0 : i32
      %dma_wait3A_102 = tpu.memref_slice %arg2[%dma_wait3A_100, %dma_wait3A_101] : memref<10240x128xf32, #tpu.memory_space<hbm>> -> memref<10240x128xf32, #tpu.memory_space<hbm>>
      tpu.wait_indirect_dma semaphore(%arg11 : memref<!tpu.dma_semaphore, #tpu.memory_space<semaphore_mem>>) src(%dma_wait3A_102 : memref<10240x128xf32, #tpu.memory_space<hbm>>) dst(%arg8 : memref<128x128xf32, #tpu.memory_space<vmem>>)
      %add3A_103 = arith.constant 2 : i32
      %add3A_104 = arith.addi %scan3A_88, %add3A_103 : i32
      %lt3A_105 = arith.constant 80 : i32
      %lt3A_106 = arith.cmpi slt, %add3A_104, %lt3A_105 : i32
      %convert_element_type3A_107 = arith.extui %lt3A_106 : i1 to i32
      %cond3A_108 = arith.constant 0 : i32
      %cond3A_109 = arith.cmpi ne, %convert_element_type3A_107, %cond3A_108 : i32
      scf.if %cond3A_109 {
        %add3A_120 = arith.constant 2 : i32
        %add3A_121 = arith.addi %scan3A_88, %add3A_120 : i32
        %dma_start3A_122 = arith.constant 0 : i32
        %dma_start3A_123 = tpu.memref_slice %arg6[%rem3A_90, %dma_start3A_122] : memref<2x128xi32, #tpu.memory_space<vmem>> -> memref<1x128xi32, #tpu.memory_space<vmem>>
        %dma_start3A_124 = tpu.memref_squeeze %dma_start3A_123 : memref<1x128xi32, #tpu.memory_space<vmem>> -> memref<128xi32, #tpu.memory_space<vmem>>
        %dma_start3A_125 = arith.constant 0 : i32
        %dma_start3A_126 = tpu.memref_slice %arg3[%add3A, %add3A_121, %dma_start3A_125] : memref<32x80x128xi32, #tpu.memory_space<hbm>> -> memref<1x1x128xi32, #tpu.memory_space<hbm>>
        %dma_start3A_127 = tpu.memref_squeeze %dma_start3A_126 : memref<1x1x128xi32, #tpu.memory_space<hbm>> -> memref<128xi32, #tpu.memory_space<hbm>>
        %dma_start3A_128 = arith.constant 0 : i32
        %dma_start3A_129 = tpu.memref_slice %arg6[%rem3A_90, %dma_start3A_128] : memref<2x128xi32, #tpu.memory_space<vmem>> -> memref<1x128xi32, #tpu.memory_space<vmem>>
        %dma_start3A_130 = tpu.memref_squeeze %dma_start3A_129 : memref<1x128xi32, #tpu.memory_space<vmem>> -> memref<128xi32, #tpu.memory_space<vmem>>
        %dma_start3A_131 = arith.constant 0 : i32
        %dma_start3A_132 = tpu.memref_slice %arg3[%add3A, %add3A_121, %dma_start3A_131] : memref<32x80x128xi32, #tpu.memory_space<hbm>> -> memref<1x1x128xi32, #tpu.memory_space<hbm>>
        %dma_start3A_133 = tpu.memref_squeeze %dma_start3A_132 : memref<1x1x128xi32, #tpu.memory_space<hbm>> -> memref<128xi32, #tpu.memory_space<hbm>>
        tpu.enqueue_dma source(%dma_start3A_133 : memref<128xi32, #tpu.memory_space<hbm>>) target(%dma_start3A_130 : memref<128xi32, #tpu.memory_space<vmem>>) target_semaphore(%arg12 : memref<!tpu.dma_semaphore, #tpu.memory_space<semaphore_mem>>)
      } else {
      }
      %eq3A = arith.constant 0 : i32
      %eq3A_110 = arith.cmpi eq, %rem3A_90, %eq3A : i32
      %convert_element_type3A_111 = arith.extui %eq3A_110 : i1 to i32
      %cond3A_112 = arith.constant 0 : i32
      %cond3A_113 = arith.cmpi ne, %convert_element_type3A_111, %cond3A_112 : i32
      scf.if %cond3A_113 {
        "tpu.region"() ({
          %run_scoped3A = tpu.sem_alloc : memref<!tpu.dma_semaphore, #tpu.memory_space<semaphore_mem>>
          %dma_start3A_120 = arith.constant 0 : i32
          %dma_start3A_121 = tpu.memref_slice %arg7[%scan3A_88, %dma_start3A_120] : memref<80x128xi32, #tpu.memory_space<vmem>> -> memref<1x128xi32, #tpu.memory_space<vmem>>
          %dma_start3A_122 = tpu.memref_squeeze %dma_start3A_121 : memref<1x128xi32, #tpu.memory_space<vmem>> -> memref<128xi32, #tpu.memory_space<vmem>>
          %dma_start3A_123 = arith.constant 0 : i32
          %dma_start3A_124 = arith.constant 0 : i32
          %dma_start3A_125 = tpu.memref_slice %arg10[%dma_start3A_123, %dma_start3A_124] : memref<10240x128xf32, #tpu.memory_space<vmem_shared>> -> memref<10240x128xf32, #tpu.memory_space<vmem_shared>>
          tpu.enqueue_indirect_dma source(%arg8 : memref<128x128xf32, #tpu.memory_space<vmem>>) target(%dma_start3A_125 : memref<10240x128xf32, #tpu.memory_space<vmem_shared>>) offsets(%dma_start3A_122 : memref<128xi32, #tpu.memory_space<vmem>>) semaphore(%run_scoped3A : memref<!tpu.dma_semaphore, #tpu.memory_space<semaphore_mem>>) {add = true}
          %dma_wait3A_126 = arith.constant 0 : i32
          %dma_wait3A_127 = tpu.memref_slice %arg7[%scan3A_88, %dma_wait3A_126] : memref<80x128xi32, #tpu.memory_space<vmem>> -> memref<1x128xi32, #tpu.memory_space<vmem>>
          %dma_wait3A_128 = tpu.memref_squeeze %dma_wait3A_127 : memref<1x128xi32, #tpu.memory_space<vmem>> -> memref<128xi32, #tpu.memory_space<vmem>>
          %dma_wait3A_129 = arith.constant 0 : i32
          %dma_wait3A_130 = arith.constant 0 : i32
          %dma_wait3A_131 = tpu.memref_slice %arg10[%dma_wait3A_129, %dma_wait3A_130] : memref<10240x128xf32, #tpu.memory_space<vmem_shared>> -> memref<10240x128xf32, #tpu.memory_space<vmem_shared>>
          tpu.wait_indirect_dma semaphore(%run_scoped3A : memref<!tpu.dma_semaphore, #tpu.memory_space<semaphore_mem>>) src(%arg8 : memref<128x128xf32, #tpu.memory_space<vmem>>) dst(%dma_wait3A_131 : memref<10240x128xf32, #tpu.memory_space<vmem_shared>>)
          tpu.yield
        }) : () -> ()
      } else {
      }
      %eq3A_114 = arith.constant 1 : i32
      %eq3A_115 = arith.cmpi eq, %rem3A_90, %eq3A_114 : i32
      %convert_element_type3A_116 = arith.extui %eq3A_115 : i1 to i32
      %cond3A_117 = arith.constant 0 : i32
      %cond3A_118 = arith.cmpi ne, %convert_element_type3A_116, %cond3A_117 : i32
      scf.if %cond3A_118 {
        "tpu.region"() ({
          %run_scoped3A = tpu.sem_alloc : memref<!tpu.dma_semaphore, #tpu.memory_space<semaphore_mem>>
          %dma_start3A_120 = arith.constant 0 : i32
          %dma_start3A_121 = tpu.memref_slice %arg7[%scan3A_88, %dma_start3A_120] : memref<80x128xi32, #tpu.memory_space<vmem>> -> memref<1x128xi32, #tpu.memory_space<vmem>>
          %dma_start3A_122 = tpu.memref_squeeze %dma_start3A_121 : memref<1x128xi32, #tpu.memory_space<vmem>> -> memref<128xi32, #tpu.memory_space<vmem>>
          %dma_start3A_123 = arith.constant 0 : i32
          %dma_start3A_124 = arith.constant 0 : i32
          %dma_start3A_125 = tpu.memref_slice %arg10[%dma_start3A_123, %dma_start3A_124] : memref<10240x128xf32, #tpu.memory_space<vmem_shared>> -> memref<10240x128xf32, #tpu.memory_space<vmem_shared>>
          tpu.enqueue_indirect_dma source(%arg9 : memref<128x128xf32, #tpu.memory_space<vmem>>) target(%dma_start3A_125 : memref<10240x128xf32, #tpu.memory_space<vmem_shared>>) offsets(%dma_start3A_122 : memref<128xi32, #tpu.memory_space<vmem>>) semaphore(%run_scoped3A : memref<!tpu.dma_semaphore, #tpu.memory_space<semaphore_mem>>) {add = true}
          %dma_wait3A_126 = arith.constant 0 : i32
          %dma_wait3A_127 = tpu.memref_slice %arg7[%scan3A_88, %dma_wait3A_126] : memref<80x128xi32, #tpu.memory_space<vmem>> -> memref<1x128xi32, #tpu.memory_space<vmem>>
          %dma_wait3A_128 = tpu.memref_squeeze %dma_wait3A_127 : memref<1x128xi32, #tpu.memory_space<vmem>> -> memref<128xi32, #tpu.memory_space<vmem>>
          %dma_wait3A_129 = arith.constant 0 : i32
          %dma_wait3A_130 = arith.constant 0 : i32
          %dma_wait3A_131 = tpu.memref_slice %arg10[%dma_wait3A_129, %dma_wait3A_130] : memref<10240x128xf32, #tpu.memory_space<vmem_shared>> -> memref<10240x128xf32, #tpu.memory_space<vmem_shared>>
          tpu.wait_indirect_dma semaphore(%run_scoped3A : memref<!tpu.dma_semaphore, #tpu.memory_space<semaphore_mem>>) src(%arg9 : memref<128x128xf32, #tpu.memory_space<vmem>>) dst(%dma_wait3A_131 : memref<10240x128xf32, #tpu.memory_space<vmem_shared>>)
          tpu.yield
        }) : () -> ()
      } else {
      }
      %scan3A_119 = arith.constant 0 : i32
      scf.yield %scan3A_119 : i32
    }
    %scan3A_86 = arith.constant 80 : i32
    %barrier3A_87 = arith.constant 0 : index
    tpu.barrier barrier_id(%barrier3A_87)
    "tpu.region"() ({
      %run_scoped3A = tpu.sem_alloc : memref<!tpu.dma_semaphore, #tpu.memory_space<semaphore_mem>>
      %dma_start3A_88 = arith.constant 0 : i32
      %dma_start3A_89 = tpu.memref_slice %arg5[%arg0, %mul3A_16, %dma_start3A_88] : memref<2x10240x128xf32, #tpu.memory_space<hbm>> -> memref<1x640x128xf32, #tpu.memory_space<hbm>>
      %dma_start3A_90 = tpu.memref_squeeze %dma_start3A_89 : memref<1x640x128xf32, #tpu.memory_space<hbm>> -> memref<640x128xf32, #tpu.memory_space<hbm>>
      %dma_start3A_91 = arith.constant 0 : i32
      %dma_start3A_92 = tpu.memref_slice %arg10[%mul3A_16, %dma_start3A_91] : memref<10240x128xf32, #tpu.memory_space<vmem_shared>> -> memref<640x128xf32, #tpu.memory_space<vmem_shared>>
      tpu.enqueue_dma source(%dma_start3A_92 : memref<640x128xf32, #tpu.memory_space<vmem_shared>>) target(%dma_start3A_90 : memref<640x128xf32, #tpu.memory_space<hbm>>) target_semaphore(%run_scoped3A : memref<!tpu.dma_semaphore, #tpu.memory_space<semaphore_mem>>)
      %dma_wait3A_93 = arith.constant 0 : i32
      %dma_wait3A_94 = tpu.memref_slice %arg5[%arg0, %mul3A_16, %dma_wait3A_93] : memref<2x10240x128xf32, #tpu.memory_space<hbm>> -> memref<1x640x128xf32, #tpu.memory_space<hbm>>
      %dma_wait3A_95 = tpu.memref_squeeze %dma_wait3A_94 : memref<1x640x128xf32, #tpu.memory_space<hbm>> -> memref<640x128xf32, #tpu.memory_space<hbm>>
      %dma_wait3A_96 = arith.constant 0 : i32
      %dma_wait3A_97 = tpu.memref_slice %arg10[%mul3A_16, %dma_wait3A_96] : memref<10240x128xf32, #tpu.memory_space<vmem_shared>> -> memref<640x128xf32, #tpu.memory_space<vmem_shared>>
      tpu.wait_dma2 semaphore(%run_scoped3A : memref<!tpu.dma_semaphore, #tpu.memory_space<semaphore_mem>>) src(%dma_wait3A_97 : memref<640x128xf32, #tpu.memory_space<vmem_shared>>) dst(%dma_wait3A_95 : memref<640x128xf32, #tpu.memory_space<hbm>>)
      tpu.yield
    }) : () -> ()
    return
  }
}

module attributes {stable_mosaic.version = 14 : i64} {
  func.func @_tc_layer_body(%arg0: i32, %arg1: memref<2x320x128xf32, #tpu.memory_space<vmem>>, %arg2: memref<2x16x1x40x128xf32, #tpu.memory_space<vmem>>, %arg3: memref<320x128xf32, #tpu.memory_space<vmem>>, %arg4: memref<128x128xf32, #tpu.memory_space<vmem>>, %arg5: memref<1x128xf32, #tpu.memory_space<vmem>>, %arg6: memref<128x128xf32, #tpu.memory_space<vmem>>, %arg7: memref<320x128xf32, #tpu.memory_space<vmem>>) attributes {dimension_semantics = [#tpu.dimension_semantics<arbitrary>], iteration_bounds = array<i64: 32>, scalar_prefetch = 0 : i64, scratch_operands = 0 : i64, tpu.core_type = #tpu.core_type<tc>, window_params = [{transform_indices = @transform_0, window_bounds = array<i64: 2, 320, 128>}, {transform_indices = @transform_1, window_bounds = array<i64: 2, 16, 1, 40, 128>}, {transform_indices = @transform_2, window_bounds = array<i64: 320, 128>}, {pipeline_mode = #tpu.pipeline_mode<synchronous>, transform_indices = @transform_3, window_bounds = array<i64: 128, 128>}, {pipeline_mode = #tpu.pipeline_mode<synchronous>, transform_indices = @transform_4, window_bounds = array<i64: 1, 128>}, {pipeline_mode = #tpu.pipeline_mode<synchronous>, transform_indices = @transform_5, window_bounds = array<i64: 128, 128>}, {transform_indices = @transform_6, window_bounds = array<i64: 320, 128>}]} {
    %get3A = arith.constant 0 : index
    %get3A_0 = arith.constant 0 : index
    %get3A_1 = arith.constant 0 : index
    %get3A_2 = vector.load %arg1[%get3A, %get3A_0, %get3A_1] : memref<2x320x128xf32, #tpu.memory_space<vmem>>, vector<1x320x128xf32>
    %get3A_3 = vector.shape_cast %get3A_2 : vector<1x320x128xf32> to vector<320x128xf32>
    %get3A_4 = arith.constant 1 : index
    %get3A_5 = arith.constant 0 : index
    %get3A_6 = arith.constant 0 : index
    %get3A_7 = vector.load %arg1[%get3A_4, %get3A_5, %get3A_6] : memref<2x320x128xf32, #tpu.memory_space<vmem>>, vector<1x320x128xf32>
    %get3A_8 = vector.shape_cast %get3A_7 : vector<1x320x128xf32> to vector<320x128xf32>
    %add3A = arith.addf %get3A_3, %get3A_8 : vector<320x128xf32>
    %get3A_9 = arith.constant 0 : index
    %get3A_10 = arith.constant 0 : index
    %get3A_11 = arith.constant 0 : index
    %get3A_12 = arith.constant 0 : index
    %get3A_13 = arith.constant 0 : index
    %get3A_14 = vector.load %arg2[%get3A_9, %get3A_10, %get3A_11, %get3A_12, %get3A_13] : memref<2x16x1x40x128xf32, #tpu.memory_space<vmem>>, vector<2x16x1x40x128xf32>
    %reduce_sum3A = arith.constant dense<0.000000e+00> : vector<40x128xf32>
    %reduce_sum3A_15 = vector.multi_reduction <add>, %get3A_14, %reduce_sum3A [0, 1, 2] : vector<2x16x1x40x128xf32> to vector<40x128xf32>
    %reshape3A = vector.shape_cast %reduce_sum3A_15 : vector<40x128xf32> to vector<40x8x16xf32>
    %reduce_sum3A_16 = arith.constant dense<0.000000e+00> : vector<40x8xf32>
    %reduce_sum3A_17 = vector.multi_reduction <add>, %reshape3A, %reduce_sum3A_16 [2] : vector<40x8x16xf32> to vector<40x8xf32>
    %reshape3A_18 = vector.shape_cast %reduce_sum3A_17 : vector<40x8xf32> to vector<320x1xf32>
    %max3A = arith.constant 1.000000e+00 : f32
    %max3A_19 = vector.broadcast %max3A : f32 to vector<320x1xf32>
    %max3A_20 = arith.maximumf %reshape3A_18, %max3A_19 : vector<320x1xf32>
    %div3A = vector.broadcast %max3A_20 : vector<320x1xf32> to vector<320x128xf32>
    %div3A_21 = arith.divf %add3A, %div3A : vector<320x128xf32>
    %get3A_22 = arith.constant 0 : index
    %get3A_23 = arith.constant 0 : index
    %get3A_24 = vector.load %arg4[%get3A_22, %get3A_23] : memref<128x128xf32, #tpu.memory_space<vmem>>, vector<128x128xf32>
    %dot_general3A = arith.constant dense<0.000000e+00> : vector<320x128xf32>
    %dot_general3A_25 = tpu.matmul %div3A_21, %get3A_24, %dot_general3A {dimension_numbers = #tpu.dot_dimension_numbers<[1], [0], [0], [1], [0, 0, 1, 1], [], []>, transpose_lhs_hint = false} : vector<320x128xf32>, vector<128x128xf32>, vector<320x128xf32> -> vector<320x128xf32>
    %get3A_26 = arith.constant 0 : index
    %get3A_27 = arith.constant 0 : index
    %get3A_28 = vector.load %arg5[%get3A_26, %get3A_27] : memref<1x128xf32, #tpu.memory_space<vmem>>, vector<1x128xf32>
    %add3A_29 = vector.broadcast %get3A_28 : vector<1x128xf32> to vector<320x128xf32>
    %add3A_30 = arith.addf %dot_general3A_25, %add3A_29 : vector<320x128xf32>
    %get3A_31 = arith.constant 0 : index
    %get3A_32 = arith.constant 0 : index
    %get3A_33 = vector.load %arg3[%get3A_31, %get3A_32] : memref<320x128xf32, #tpu.memory_space<vmem>>, vector<320x128xf32>
    %get3A_34 = arith.constant 0 : index
    %get3A_35 = arith.constant 0 : index
    %get3A_36 = vector.load %arg6[%get3A_34, %get3A_35] : memref<128x128xf32, #tpu.memory_space<vmem>>, vector<128x128xf32>
    %dot_general3A_37 = arith.constant dense<0.000000e+00> : vector<320x128xf32>
    %dot_general3A_38 = tpu.matmul %get3A_33, %get3A_36, %dot_general3A_37 {dimension_numbers = #tpu.dot_dimension_numbers<[1], [0], [0], [1], [0, 0, 1, 1], [], []>, transpose_lhs_hint = false} : vector<320x128xf32>, vector<128x128xf32>, vector<320x128xf32> -> vector<320x128xf32>
    %add3A_39 = arith.addf %add3A_30, %dot_general3A_38 : vector<320x128xf32>
    %mul3A = arith.mulf %add3A_39, %add3A_39 : vector<320x128xf32>
    %reduce_sum3A_40 = arith.constant dense<0.000000e+00> : vector<320xf32>
    %reduce_sum3A_41 = vector.multi_reduction <add>, %mul3A, %reduce_sum3A_40 [1] : vector<320x128xf32> to vector<320xf32>
    %broadcast_in_dim3A = vector.shape_cast %reduce_sum3A_41 : vector<320xf32> to vector<320x1xf32>
    %sqrt3A = math.sqrt %broadcast_in_dim3A : vector<320x1xf32>
    %max3A_42 = arith.constant 9.99999996E-13 : f32
    %max3A_43 = vector.broadcast %max3A_42 : f32 to vector<320x1xf32>
    %max3A_44 = arith.maximumf %sqrt3A, %max3A_43 : vector<320x1xf32>
    %div3A_45 = vector.broadcast %max3A_44 : vector<320x1xf32> to vector<320x128xf32>
    %div3A_46 = arith.divf %add3A_39, %div3A_45 : vector<320x128xf32>
    %max3A_47 = arith.constant 0.000000e+00 : f32
    %max3A_48 = vector.broadcast %max3A_47 : f32 to vector<320x128xf32>
    %max3A_49 = arith.maximumf %div3A_46, %max3A_48 : vector<320x128xf32>
    %swap3A = arith.constant 0 : index
    %swap3A_50 = arith.constant 0 : index
    %swap3A_51 = vector.load %arg7[%swap3A, %swap3A_50] : memref<320x128xf32, #tpu.memory_space<vmem>>, vector<320x128xf32>
    tpu.vector_store %arg7[%swap3A, %swap3A_50], %max3A_49 {strides = array<i32>} : memref<320x128xf32, #tpu.memory_space<vmem>>, vector<320x128xf32>,
    return
  }
  func.func @transform_0(%arg0: i32) -> (i32, i32, i32) {
    %c0_i32 = arith.constant 0 : i32
    %c0_i32_0 = arith.constant 0 : i32
    %c0_i32_1 = arith.constant 0 : i32
    return %c0_i32, %arg0, %c0_i32_0 : i32, i32, i32
  }
  func.func @transform_1(%arg0: i32) -> (i32, i32, i32, i32, i32) {
    %jit3A = arith.constant 16 : i32
    %div3A = arith.divsi %arg0, %jit3A : i32
    %sign3A = arith.constant 0 : i32
    %sign3A_0 = arith.cmpi sgt, %arg0, %sign3A : i32
    %sign3A_1 = arith.extui %sign3A_0 : i1 to i32
    %sign3A_2 = arith.constant 0 : i32
    %sign3A_3 = arith.cmpi slt, %arg0, %sign3A_2 : i32
    %sign3A_4 = arith.extui %sign3A_3 : i1 to i32
    %sign3A_5 = arith.subi %sign3A_1, %sign3A_4 : i32
    %sign3A_6 = arith.constant 0 : i32
    %sign3A_7 = arith.cmpi sgt, %jit3A, %sign3A_6 : i32
    %sign3A_8 = arith.extui %sign3A_7 : i1 to i32
    %sign3A_9 = arith.constant 0 : i32
    %sign3A_10 = arith.cmpi slt, %jit3A, %sign3A_9 : i32
    %sign3A_11 = arith.extui %sign3A_10 : i1 to i32
    %sign3A_12 = arith.subi %sign3A_8, %sign3A_11 : i32
    %ne3A = arith.cmpi ne, %sign3A_5, %sign3A_12 : i32
    %rem3A = arith.remsi %arg0, %jit3A : i32
    %ne3A_13 = arith.constant 0 : i32
    %ne3A_14 = arith.cmpi ne, %rem3A, %ne3A_13 : i32
    %and3A = arith.andi %ne3A, %ne3A_14 : i1
    %sub3A = arith.constant 1 : i32
    %sub3A_15 = arith.subi %div3A, %sub3A : i32
    %select_n3A = arith.select %and3A, %sub3A_15, %div3A : i32
    %jit3A_16 = arith.constant 16 : i32
    %eq3A = arith.constant 0 : i32
    %eq3A_17 = arith.cmpi eq, %jit3A_16, %eq3A : i32
    %jit3A_18 = arith.constant 1 : i32
    %select_n3A_19 = arith.select %eq3A_17, %jit3A_18, %jit3A_16 : i32
    %rem3A_20 = arith.remsi %arg0, %select_n3A_19 : i32
    %ne3A_21 = arith.constant 0 : i32
    %ne3A_22 = arith.cmpi ne, %rem3A_20, %ne3A_21 : i32
    %lt3A = arith.constant 0 : i32
    %lt3A_23 = arith.cmpi slt, %rem3A_20, %lt3A : i32
    %lt3A_24 = arith.constant 0 : i32
    %lt3A_25 = arith.cmpi slt, %select_n3A_19, %lt3A_24 : i32
    %ne3A_26 = arith.xori %lt3A_23, %lt3A_25 : i1
    %and3A_27 = arith.andi %ne3A_26, %ne3A_22 : i1
    %add3A = arith.addi %rem3A_20, %select_n3A_19 : i32
    %select_n3A_28 = arith.select %and3A_27, %add3A, %rem3A_20 : i32
    %c0_i32 = arith.constant 0 : i32
    %c0_i32_29 = arith.constant 0 : i32
    %c0_i32_30 = arith.constant 0 : i32
    %c0_i32_31 = arith.constant 0 : i32
    return %c0_i32, %c0_i32_29, %select_n3A, %select_n3A_28, %c0_i32_30 : i32, i32, i32, i32, i32
  }
  func.func @transform_2(%arg0: i32) -> (i32, i32) {
    %c0_i32 = arith.constant 0 : i32
    %c0_i32_0 = arith.constant 0 : i32
    return %arg0, %c0_i32 : i32, i32
  }
  func.func @transform_3(%arg0: i32) -> (i32, i32) {
    %c0_i32 = arith.constant 0 : i32
    %c0_i32_0 = arith.constant 0 : i32
    %c0_i32_1 = arith.constant 0 : i32
    return %c0_i32, %c0_i32_0 : i32, i32
  }
  func.func @transform_4(%arg0: i32) -> (i32, i32) {
    %c0_i32 = arith.constant 0 : i32
    %c0_i32_0 = arith.constant 0 : i32
    %c0_i32_1 = arith.constant 0 : i32
    return %c0_i32, %c0_i32_0 : i32, i32
  }
  func.func @transform_5(%arg0: i32) -> (i32, i32) {
    %c0_i32 = arith.constant 0 : i32
    %c0_i32_0 = arith.constant 0 : i32
    %c0_i32_1 = arith.constant 0 : i32
    return %c0_i32, %c0_i32_0 : i32, i32
  }
  func.func @transform_6(%arg0: i32) -> (i32, i32) {
    %c0_i32 = arith.constant 0 : i32
    %c0_i32_0 = arith.constant 0 : i32
    return %arg0, %c0_i32 : i32, i32
  }
}

module attributes {stable_mosaic.version = 14 : i64} {
  func.func @_tc_layer_body(%arg0: i32, %arg1: memref<2x320x128xf32, #tpu.memory_space<vmem>>, %arg2: memref<2x16x1x40x128xf32, #tpu.memory_space<vmem>>, %arg3: memref<320x128xf32, #tpu.memory_space<vmem>>, %arg4: memref<128x128xf32, #tpu.memory_space<vmem>>, %arg5: memref<1x128xf32, #tpu.memory_space<vmem>>, %arg6: memref<128x128xf32, #tpu.memory_space<vmem>>, %arg7: memref<320x128xf32, #tpu.memory_space<vmem>>) attributes {dimension_semantics = [#tpu.dimension_semantics<arbitrary>], iteration_bounds = array<i64: 32>, scalar_prefetch = 0 : i64, scratch_operands = 0 : i64, tpu.core_type = #tpu.core_type<tc>, window_params = [{transform_indices = @transform_0, window_bounds = array<i64: 2, 320, 128>}, {transform_indices = @transform_1, window_bounds = array<i64: 2, 16, 1, 40, 128>}, {transform_indices = @transform_2, window_bounds = array<i64: 320, 128>}, {pipeline_mode = #tpu.pipeline_mode<synchronous>, transform_indices = @transform_3, window_bounds = array<i64: 128, 128>}, {pipeline_mode = #tpu.pipeline_mode<synchronous>, transform_indices = @transform_4, window_bounds = array<i64: 1, 128>}, {pipeline_mode = #tpu.pipeline_mode<synchronous>, transform_indices = @transform_5, window_bounds = array<i64: 128, 128>}, {transform_indices = @transform_6, window_bounds = array<i64: 320, 128>}]} {
    %get3A = arith.constant 0 : index
    %get3A_0 = arith.constant 0 : index
    %get3A_1 = arith.constant 0 : index
    %get3A_2 = vector.load %arg1[%get3A, %get3A_0, %get3A_1] : memref<2x320x128xf32, #tpu.memory_space<vmem>>, vector<1x320x128xf32>
    %get3A_3 = vector.shape_cast %get3A_2 : vector<1x320x128xf32> to vector<320x128xf32>
    %get3A_4 = arith.constant 1 : index
    %get3A_5 = arith.constant 0 : index
    %get3A_6 = arith.constant 0 : index
    %get3A_7 = vector.load %arg1[%get3A_4, %get3A_5, %get3A_6] : memref<2x320x128xf32, #tpu.memory_space<vmem>>, vector<1x320x128xf32>
    %get3A_8 = vector.shape_cast %get3A_7 : vector<1x320x128xf32> to vector<320x128xf32>
    %add3A = arith.addf %get3A_3, %get3A_8 : vector<320x128xf32>
    %get3A_9 = arith.constant 0 : index
    %get3A_10 = arith.constant 0 : index
    %get3A_11 = arith.constant 0 : index
    %get3A_12 = arith.constant 0 : index
    %get3A_13 = arith.constant 0 : index
    %get3A_14 = vector.load %arg2[%get3A_9, %get3A_10, %get3A_11, %get3A_12, %get3A_13] : memref<2x16x1x40x128xf32, #tpu.memory_space<vmem>>, vector<2x16x1x40x128xf32>
    %reduce_sum3A = arith.constant dense<0.000000e+00> : vector<40x128xf32>
    %reduce_sum3A_15 = vector.multi_reduction <add>, %get3A_14, %reduce_sum3A [0, 1, 2] : vector<2x16x1x40x128xf32> to vector<40x128xf32>
    %reshape3A = vector.shape_cast %reduce_sum3A_15 : vector<40x128xf32> to vector<40x8x16xf32>
    %reduce_sum3A_16 = arith.constant dense<0.000000e+00> : vector<40x8xf32>
    %reduce_sum3A_17 = vector.multi_reduction <add>, %reshape3A, %reduce_sum3A_16 [2] : vector<40x8x16xf32> to vector<40x8xf32>
    %reshape3A_18 = vector.shape_cast %reduce_sum3A_17 : vector<40x8xf32> to vector<320x1xf32>
    %max3A = arith.constant 1.000000e+00 : f32
    %max3A_19 = vector.broadcast %max3A : f32 to vector<320x1xf32>
    %max3A_20 = arith.maximumf %reshape3A_18, %max3A_19 : vector<320x1xf32>
    %div3A = vector.broadcast %max3A_20 : vector<320x1xf32> to vector<320x128xf32>
    %div3A_21 = arith.divf %add3A, %div3A : vector<320x128xf32>
    %get3A_22 = arith.constant 0 : index
    %get3A_23 = arith.constant 0 : index
    %get3A_24 = vector.load %arg4[%get3A_22, %get3A_23] : memref<128x128xf32, #tpu.memory_space<vmem>>, vector<128x128xf32>
    %dot_general3A = arith.constant dense<0.000000e+00> : vector<320x128xf32>
    %dot_general3A_25 = tpu.matmul %div3A_21, %get3A_24, %dot_general3A {dimension_numbers = #tpu.dot_dimension_numbers<[1], [0], [0], [1], [0, 0, 1, 1], [], []>, transpose_lhs_hint = false} : vector<320x128xf32>, vector<128x128xf32>, vector<320x128xf32> -> vector<320x128xf32>
    %get3A_26 = arith.constant 0 : index
    %get3A_27 = arith.constant 0 : index
    %get3A_28 = vector.load %arg5[%get3A_26, %get3A_27] : memref<1x128xf32, #tpu.memory_space<vmem>>, vector<1x128xf32>
    %add3A_29 = vector.broadcast %get3A_28 : vector<1x128xf32> to vector<320x128xf32>
    %add3A_30 = arith.addf %dot_general3A_25, %add3A_29 : vector<320x128xf32>
    %get3A_31 = arith.constant 0 : index
    %get3A_32 = arith.constant 0 : index
    %get3A_33 = vector.load %arg3[%get3A_31, %get3A_32] : memref<320x128xf32, #tpu.memory_space<vmem>>, vector<320x128xf32>
    %get3A_34 = arith.constant 0 : index
    %get3A_35 = arith.constant 0 : index
    %get3A_36 = vector.load %arg6[%get3A_34, %get3A_35] : memref<128x128xf32, #tpu.memory_space<vmem>>, vector<128x128xf32>
    %dot_general3A_37 = arith.constant dense<0.000000e+00> : vector<320x128xf32>
    %dot_general3A_38 = tpu.matmul %get3A_33, %get3A_36, %dot_general3A_37 {dimension_numbers = #tpu.dot_dimension_numbers<[1], [0], [0], [1], [0, 0, 1, 1], [], []>, transpose_lhs_hint = false} : vector<320x128xf32>, vector<128x128xf32>, vector<320x128xf32> -> vector<320x128xf32>
    %add3A_39 = arith.addf %add3A_30, %dot_general3A_38 : vector<320x128xf32>
    %mul3A = arith.mulf %add3A_39, %add3A_39 : vector<320x128xf32>
    %reduce_sum3A_40 = arith.constant dense<0.000000e+00> : vector<320xf32>
    %reduce_sum3A_41 = vector.multi_reduction <add>, %mul3A, %reduce_sum3A_40 [1] : vector<320x128xf32> to vector<320xf32>
    %broadcast_in_dim3A = vector.shape_cast %reduce_sum3A_41 : vector<320xf32> to vector<320x1xf32>
    %sqrt3A = math.sqrt %broadcast_in_dim3A : vector<320x1xf32>
    %max3A_42 = arith.constant 9.99999996E-13 : f32
    %max3A_43 = vector.broadcast %max3A_42 : f32 to vector<320x1xf32>
    %max3A_44 = arith.maximumf %sqrt3A, %max3A_43 : vector<320x1xf32>
    %div3A_45 = vector.broadcast %max3A_44 : vector<320x1xf32> to vector<320x128xf32>
    %div3A_46 = arith.divf %add3A_39, %div3A_45 : vector<320x128xf32>
    %reduce_max3A = arith.constant dense<0xFF800000> : vector<320xf32>
    %reduce_max3A_47 = vector.multi_reduction <maximumf>, %div3A_46, %reduce_max3A [1] : vector<320x128xf32> to vector<320xf32>
    %broadcast_in_dim3A_48 = vector.shape_cast %reduce_max3A_47 : vector<320xf32> to vector<320x1xf32>
    %sub3A = vector.broadcast %broadcast_in_dim3A_48 : vector<320x1xf32> to vector<320x128xf32>
    %sub3A_49 = arith.subf %div3A_46, %sub3A : vector<320x128xf32>
    %exp3A = math.exp %sub3A_49 : vector<320x128xf32>
    %reduce_sum3A_50 = arith.constant dense<0.000000e+00> : vector<320xf32>
    %reduce_sum3A_51 = vector.multi_reduction <add>, %exp3A, %reduce_sum3A_50 [1] : vector<320x128xf32> to vector<320xf32>
    %broadcast_in_dim3A_52 = vector.shape_cast %reduce_sum3A_51 : vector<320xf32> to vector<320x1xf32>
    %log3A = math.log %broadcast_in_dim3A_52 : vector<320x1xf32>
    %sub3A_53 = vector.broadcast %log3A : vector<320x1xf32> to vector<320x128xf32>
    %sub3A_54 = arith.subf %sub3A_49, %sub3A_53 : vector<320x128xf32>
    %swap3A = arith.constant 0 : index
    %swap3A_55 = arith.constant 0 : index
    %swap3A_56 = vector.load %arg7[%swap3A, %swap3A_55] : memref<320x128xf32, #tpu.memory_space<vmem>>, vector<320x128xf32>
    tpu.vector_store %arg7[%swap3A, %swap3A_55], %sub3A_54 {strides = array<i32>} : memref<320x128xf32, #tpu.memory_space<vmem>>, vector<320x128xf32>,
    return
  }
  func.func @transform_0(%arg0: i32) -> (i32, i32, i32) {
    %c0_i32 = arith.constant 0 : i32
    %c0_i32_0 = arith.constant 0 : i32
    %c0_i32_1 = arith.constant 0 : i32
    return %c0_i32, %arg0, %c0_i32_0 : i32, i32, i32
  }
  func.func @transform_1(%arg0: i32) -> (i32, i32, i32, i32, i32) {
    %jit3A = arith.constant 16 : i32
    %div3A = arith.divsi %arg0, %jit3A : i32
    %sign3A = arith.constant 0 : i32
    %sign3A_0 = arith.cmpi sgt, %arg0, %sign3A : i32
    %sign3A_1 = arith.extui %sign3A_0 : i1 to i32
    %sign3A_2 = arith.constant 0 : i32
    %sign3A_3 = arith.cmpi slt, %arg0, %sign3A_2 : i32
    %sign3A_4 = arith.extui %sign3A_3 : i1 to i32
    %sign3A_5 = arith.subi %sign3A_1, %sign3A_4 : i32
    %sign3A_6 = arith.constant 0 : i32
    %sign3A_7 = arith.cmpi sgt, %jit3A, %sign3A_6 : i32
    %sign3A_8 = arith.extui %sign3A_7 : i1 to i32
    %sign3A_9 = arith.constant 0 : i32
    %sign3A_10 = arith.cmpi slt, %jit3A, %sign3A_9 : i32
    %sign3A_11 = arith.extui %sign3A_10 : i1 to i32
    %sign3A_12 = arith.subi %sign3A_8, %sign3A_11 : i32
    %ne3A = arith.cmpi ne, %sign3A_5, %sign3A_12 : i32
    %rem3A = arith.remsi %arg0, %jit3A : i32
    %ne3A_13 = arith.constant 0 : i32
    %ne3A_14 = arith.cmpi ne, %rem3A, %ne3A_13 : i32
    %and3A = arith.andi %ne3A, %ne3A_14 : i1
    %sub3A = arith.constant 1 : i32
    %sub3A_15 = arith.subi %div3A, %sub3A : i32
    %select_n3A = arith.select %and3A, %sub3A_15, %div3A : i32
    %jit3A_16 = arith.constant 16 : i32
    %eq3A = arith.constant 0 : i32
    %eq3A_17 = arith.cmpi eq, %jit3A_16, %eq3A : i32
    %jit3A_18 = arith.constant 1 : i32
    %select_n3A_19 = arith.select %eq3A_17, %jit3A_18, %jit3A_16 : i32
    %rem3A_20 = arith.remsi %arg0, %select_n3A_19 : i32
    %ne3A_21 = arith.constant 0 : i32
    %ne3A_22 = arith.cmpi ne, %rem3A_20, %ne3A_21 : i32
    %lt3A = arith.constant 0 : i32
    %lt3A_23 = arith.cmpi slt, %rem3A_20, %lt3A : i32
    %lt3A_24 = arith.constant 0 : i32
    %lt3A_25 = arith.cmpi slt, %select_n3A_19, %lt3A_24 : i32
    %ne3A_26 = arith.xori %lt3A_23, %lt3A_25 : i1
    %and3A_27 = arith.andi %ne3A_26, %ne3A_22 : i1
    %add3A = arith.addi %rem3A_20, %select_n3A_19 : i32
    %select_n3A_28 = arith.select %and3A_27, %add3A, %rem3A_20 : i32
    %c0_i32 = arith.constant 0 : i32
    %c0_i32_29 = arith.constant 0 : i32
    %c0_i32_30 = arith.constant 0 : i32
    %c0_i32_31 = arith.constant 0 : i32
    return %c0_i32, %c0_i32_29, %select_n3A, %select_n3A_28, %c0_i32_30 : i32, i32, i32, i32, i32
  }
  func.func @transform_2(%arg0: i32) -> (i32, i32) {
    %c0_i32 = arith.constant 0 : i32
    %c0_i32_0 = arith.constant 0 : i32
    return %arg0, %c0_i32 : i32, i32
  }
  func.func @transform_3(%arg0: i32) -> (i32, i32) {
    %c0_i32 = arith.constant 0 : i32
    %c0_i32_0 = arith.constant 0 : i32
    %c0_i32_1 = arith.constant 0 : i32
    return %c0_i32, %c0_i32_0 : i32, i32
  }
  func.func @transform_4(%arg0: i32) -> (i32, i32) {
    %c0_i32 = arith.constant 0 : i32
    %c0_i32_0 = arith.constant 0 : i32
    %c0_i32_1 = arith.constant 0 : i32
    return %c0_i32, %c0_i32_0 : i32, i32
  }
  func.func @transform_5(%arg0: i32) -> (i32, i32) {
    %c0_i32 = arith.constant 0 : i32
    %c0_i32_0 = arith.constant 0 : i32
    %c0_i32_1 = arith.constant 0 : i32
    return %c0_i32, %c0_i32_0 : i32, i32
  }
  func.func @transform_6(%arg0: i32) -> (i32, i32) {
    %c0_i32 = arith.constant 0 : i32
    %c0_i32_0 = arith.constant 0 : i32
    return %arg0, %c0_i32 : i32, i32
  }
}

</mosaic_0001>

<sc_bundles>
// kernel: kernel.10.cloned.1.call-start
scs
__scs_entry_jumppad:
0x0: {  	(pc) =	sbr.rel $0x88, $3  }
0x1: {  	(tag) =	ssettag $0x0;
	lr =	simm.s32 $0x1  }
0x2: {  	[smem:$0x3F99] =	sst lr;
	_ =	strace $0xD0000000  }
0x3: {  	_ = 	snop  }
0x4: {  	_ = 	snop  }
0x5: {  	_ = 	snop  }
0x6: {  	_ = 	snop  }
0x7: {  	_ = 	snop  }
__scs_overlays_trampoline_lowered:
0x8: {  	[smem:$0x3FA8] =	sst s0  }
0x9: {  	[smem:$0x3FA9] =	sst s1  }
0xa: {  	[smem:$0x3FAA] =	sst s2  }
0xb: {  	[smem:$0x3FAB] =	sst s3  }
0xc: {  	[smem:$0x3FAC] =	sst s4  }
0xd: {  	[smem:$0x3FAD] =	sst s5  }
0xe: {  	[smem:$0x3FAE] =	sst s6  }
0xf: {  	[smem:$0x3FAF] =	sst s7  }
0x10: {  	[smem:$0x3FB0] =	sst s8  }
0x11: {  	[smem:$0x3FB1] =	sst s9;
	s0 =	simm.s32 @!p0 $0x0  }
0x12: {  	s1 =	sld [smem:$0x3F97];
	s0 =	simm.s32 @p0 $0x1  }
0x13: {  	[smem:$0x3FB2] =	sst s0;
	s0 =	simm.s32 @!p1 $0x0  }
0x14: {  	s2 =	sld [smem:$0x3F96];
	s0 =	simm.s32 @p1 $0x1  }
0x15: {  	[smem:$0x3FB3] =	sst s0;
	s0 =	simm.s32 @!p2 $0x0  }
0x16: {  	s3 =	sld [smem:$0x3FDB];
	s0 =	simm.s32 @p2 $0x1  }
0x17: {  	s4 =	simm.s32 $0x1BF5;
	[smem:$0x3FB5] =	sst s0  }
0x18: {  	s0 =	sld [smem:$0x3F98];
	_ =	swait.ge [sflag:s4], $0x0  }
0x19: {  	s7 =	sld [smem:$0x3F99]  }
0x1a: {  	s8 =	sadd.s32 $0xFFFFE003, lr  }
0x1b: {  	s9 =	sadd.s32 $0xFFFFFEF7, lr;
	s5 =	simm.s32 $0xFFFFFFFF;
	p2 =	slt.u32 s8, $0xFFFFF086  }
0x1c: {  	p1 =	slt.u32 s9, $0xF7A;
	s5 =	simm.s32 @!p2 $0x0  }
0x1d: {  	s5 =	simm.s32 @p1 $0x1;
	p0 =	seq.s32 s7, s2  }
0x1e: {  	s7 =	smul.u32 @!p0 $0xF7A, s2;
	p2 =	seq.s32 @!p0 s5, $0x0  }
0x1f: {  	s9 =	smul.u32 $0xF7A, s1;
	s8 =	simm.s32 @!p0 $0x1BF5;
	p2 =	por !p2, p0  }
0x20: {  	[sflag:s8] =	ssyncset.s32 @!p0 $0xFFFFF086;
	s6 =	sadd.s32 @!p0 s3, s7;
	s7 =	simm.s32 @!p0 $0x108  }
0x21: {  	s3 =	sadd.s32 s3, s9;
	s6 =	sadd.s32 @!p0 $0x88, s6;
	s7 =	simm.s32 @p2 $0x1082  }
0x22: {  	[simem:s7], [sflag:s8] =	dma.local @!p0 [hbm:s6], $0xF7A  }
0x23: {  	s9 =	sor.u32 $0xD0000000, s2;
	s6 =	simm.s32 $0x108;
	_ =	swait.ge @!p0 [sflag:s8], $0x0  }
0x24: {  	s3 =	sadd.s32 $0x88, s3;
	s6 =	simm.s32 @!p1 $0x1082;
	[sflag:s4] =	ssyncset.s32 $0xFFFFF086  }
0x25: {  	[simem:s6], [sflag:s4] =	dma.local [hbm:s3], $0xF7A  }
0x26: {  	[smem:$0x3F99] =	sst s1;
	(tag) =	ssettag s2;
	_ =	strace s9  }
0x27: {  	s1 =	sld [smem:$0x3FA9]  }
0x28: {  	s2 =	sld [smem:$0x3FAA]  }
0x29: {  	s4 =	sld [smem:$0x3FAC]  }
0x2a: {  	p0 =	seq.s32 s5, $0x0;
	s5 =	sld [smem:$0x3FAD]  }
0x2b: {  	s6 =	sld [smem:$0x3FAE]  }
0x2c: {  	s7 =	sld [smem:$0x3FAF]  }
0x2d: {  	s3 =	simm.s32 $0x108;
	s8 =	sld [smem:$0x3FB0]  }
0x2e: {  	s3 =	simm.s32 @!p0 $0x1082;
	s9 =	sld [smem:$0x3FB1]  }
0x2f: {  	lr =	sadd.s32 s0, s3;
	s0 =	sld [smem:$0x3FA8]  }
0x30: {  	s3 =	sld [smem:$0x3FAB]  }
0x31: {  	[smem:$0x3FB4] =	sst s10  }
0x32: {  	s10 =	sld [smem:$0x3FB2];
	_ =	sdelay $0x3  }
0x33: {  	p0 =	seq.s32 s10, $0x1;
	s10 =	sld [smem:$0x3FB4];
	_ =	sdelay $0x3  }
0x34: {  	[smem:$0x3FB4] =	sst s10  }
0x35: {  	s10 =	sld [smem:$0x3FB3];
	_ =	sdelay $0x3  }
0x36: {  	p1 =	seq.s32 s10, $0x1;
	s10 =	sld [smem:$0x3FB4];
	_ =	sdelay $0x3  }
0x37: {  	[smem:$0x3FB4] =	sst s10  }
0x38: {  	s10 =	sld [smem:$0x3FB5]  }
0x39: {  	_ = 	snop;
	(pc) =	sbr.ind lr, $3  }
0x3a: {  	_ = 	snop  }
0x3b: {  	_ = 	snop  }
0x3c: {  	p2 =	seq.s32 s10, $0x1;
	s10 =	sld [smem:$0x3FB4]  }
0x3d: {  	_ =	shalt  }
0x3e: {  	_ =	shalt  }
0x3f: {  	_ =	shalt  }
0x40: {  	_ =	shalt  }
0x41: {  	_ =	shalt  }
0x42: {  	_ =	shalt  }
0x43: {  	_ =	shalt  }
0x44: {  	_ =	shalt  }
0x45: {  	_ =	shalt  }
0x46: {  	_ =	shalt  }
0x47: {  	_ =	shalt  }
0x48: {  	_ =	shalt  }
0x49: {  	_ =	shalt  }
0x4a: {  	_ =	shalt  }
0x4b: {  	_ =	shalt  }
0x4c: {  	_ =	shalt  }
0x4d: {  	_ =	shalt  }
0x4e: {  	_ =	shalt  }
0x4f: {  	_ =	shalt  }
0x50: {  	_ =	shalt  }
0x51: {  	_ =	shalt  }
0x52: {  	_ =	shalt  }
0x53: {  	_ =	shalt  }
0x54: {  	_ =	shalt  }
0x55: {  	_ =	shalt  }
0x56: {  	_ =	shalt  }
0x57: {  	_ =	shalt  }
0x58: {  	_ =	shalt  }
0x59: {  	_ =	shalt  }
0x5a: {  	_ =	shalt  }
0x5b: {  	_ =	shalt  }
0x5c: {  	_ =	shalt  }
0x5d: {  	_ =	shalt  }
0x5e: {  	_ =	shalt  }
0x5f: {  	_ =	shalt  }
0x60: {  	_ =	shalt  }
0x61: {  	_ =	shalt  }
0x62: {  	_ =	shalt  }
0x63: {  	_ =	shalt  }
0x64: {  	_ =	shalt  }
0x65: {  	_ =	shalt  }
0x66: {  	_ =	shalt  }
0x67: {  	_ =	shalt  }
0x68: {  	_ =	shalt  }
0x69: {  	_ =	shalt  }
0x6a: {  	_ =	shalt  }
0x6b: {  	_ =	shalt  }
0x6c: {  	_ =	shalt  }
0x6d: {  	_ =	shalt  }
0x6e: {  	_ =	shalt  }
0x6f: {  	_ =	shalt  }
0x70: {  	_ =	shalt  }
0x71: {  	_ =	shalt  }
0x72: {  	_ =	shalt  }
0x73: {  	_ =	shalt  }
0x74: {  	_ =	shalt  }
0x75: {  	_ =	shalt  }
0x76: {  	_ =	shalt  }
0x77: {  	_ =	shalt  }
0x78: {  	_ =	shalt  }
0x79: {  	_ =	shalt  }
0x7a: {  	_ =	shalt  }
0x7b: {  	_ =	shalt  }
0x7c: {  	_ =	shalt  }
0x7d: {  	_ =	shalt  }
0x7e: {  	_ =	shalt  }
0x7f: {  	_ =	shalt  }
0x80: {  	_ =	shalt  }
0x81: {  	_ =	shalt  }
0x82: {  	_ =	shalt  }
0x83: {  	_ =	shalt  }
0x84: {  	_ =	shalt  }
0x85: {  	_ =	shalt  }
0x86: {  	_ =	shalt  }
0x87: {  	_ =	shalt  }
.Lfunc_end0:
.L_simem_size_0:
called_computation.1_lowered:
.L_overlay_start_0:
0x88: {  	s2 =	sld [smem:$0x3FD9]  }
0x89: {  	s3 =	sld [smem:$0x3FFE];
	_ =	sdelay $0x1  }
0x8a: {  	s1 =	srdreg.scid  }
0x8b: {  	s0 =	sand.u32 $0x1, s1  }
0x8c: {  	s17 =	sshll.u32 s0, $0xA;
	s2 =	sadd.s32 s3, s2  }
0x8d: {  	s2 =	sadd.s32 s2, s17  }
0x8e: {  	[smem:$0x3FC0] =	sst s2  }
0x8f: {  	_ = 	snop  }
0x90: {  	(tm) =	ssettm $0x1  }
0x91: {  	s18 =	sld [smem:$0x3FFB];
	_ =	sdelay $0x3  }
0x92: {  	_ =	strace s18  }
0x93: {  	s2 =	sld [smem:$0x3FFC];
	_ =	sdelay $0x3  }
0x94: {  	_ =	strace s2  }
0x95: {  	s2 =	sld [smem:$0x3FFD];
	_ =	sdelay $0x3  }
0x96: {  	_ =	strace s2  }
0x97: {  	_ =	strace $0x8FFFFFFF  }
0x98: {  	s19 =	sld [smem:$0x3FDB];
	_ =	sdelay $0x1  }
0x99: {  	s20 =	simm.s32 $_scs_section_size  }
0x9a: {  	s4 =	simm.s32 $_size__tile_overlayer_lowered;
	s5 =	simm.s32 $_tile_overlayer_lowered  }
0x9b: {  	s6 =	simm.s32 $0x1BFF;
	s21 =	sshll.u32 s5, $0x1;
	s3 =	sadd.s32 s20, s19  }
0x9c: {  	s22 =	simm.s32 $0x0;
	s4 =	sshll.u32 s4, $0x1;
	s5 =	sadd.s32 s21, s3  }
0x9d: {  	[timem:s22], [sflag:s6] =	dma.local [hbm:s5], s4  }
0x9e: {  	_ =	swait.ge [sflag:s6], s4  }
0x9f: {  	s4 =	ssub.s32 $0x0, s4;
	[sflag:s6] =	ssyncset.done $0x0  }
0xa0: {  	[sflag:s6] =	ssyncadd.s32 s4;
	_ =	sdelay $0x1  }
0xa1: {  	s23 =	simm.s32 $0x1B8B  }
0xa2: {  	_ =	swait.ge [sflag:s23], $0x1  }
0xa3: {  	[sflag:s23] =	ssyncset.done $0x0  }
0xa4: {  	[sflag:s23] =	ssyncadd.s32 $0xFFFFFFFF  }
0xa5: {  	s4 =	sld [smem:$0x0]  }
0xa6: {  	s5 =	sand.u32 $0xFFFFFFFE, s1  }
0xa7: {  	p0 =	sne.s32 s1, s5  }
0xa8: {  	s5 =	sshll.u32 @p0 s5, $0xE  }
0xa9: {  	s5 =	sadd.s32 @p0 $0x11B8D, s5;
	s6 =	sshll.u32 @p0 s4, $0x11  }
0xaa: {  	s5 =	sor.u32 @p0 s6, s5  }
0xab: {  	[sflag:s5] =	ssyncadd.remote.s32 @p0 $0x1;
	_ =	sdelay $0x1  }
0xac: {  	s5 =	simm.s32 @p0 $0x1B8D  }
0xad: {  	_ =	swait.eq @p0 [sflag:s5], $0x1  }
0xae: {  	[sflag:s5] =	ssyncadd.s32 @p0 $0xFFFFFFFF  }
0xaf: {  	s6 =	sshll.u32 @!p0 s1, $0xE  }
0xb0: {  	s6 =	sor.u32 @!p0 $0x4000, s6;
	s5 =	simm.s32 @!p0 $0x1B8D  }
0xb1: {  	s4 =	sshll.u32 @!p0 s4, $0x11;
	s6 =	sadd.s32 @!p0 $0x11B8D, s6;
	_ =	swait.eq @!p0 [sflag:s5], $0x1  }
0xb2: {  	s4 =	sor.u32 @!p0 s4, s6;
	[sflag:s5] =	ssyncadd.s32 @!p0 $0xFFFFFFFF  }
0xb3: {  	s25 =	simm.s32 $0x1B8E;
	s24 =	sld [smem:$0x3FFE];
	[sflag:s4] =	ssyncadd.remote.s32 @!p0 $0x1  }
0xb4: {  	s26 =	simm.s32 $execute0_lowered;
	[smem:$0x3FD2] =	sst s25  }
0xb5: {  	s5 =	sshll.u32 s26, $0x1;
	_ =	strace $0x80000049;
	[dreg:$0x1] =	wrdreg $0xFFFFFFFF  }
0xb6: {  	s28 =	simm.s32 $_size_execute0_lowered;
	s3 =	sadd.s32 s3, s5;
	[dreg:$0x0] =	wrdreg $0x0  }
0xb7: {  	s5 =	sshll.u32 s28, $0x1;
	[dreg:$0x2] =	wrdreg s3  }
0xb8: {  	[dreg:$0x3] =	wrdreg s5  }
0xb9: {  	[dreg:$0x4] =	wrdreg $0xC0  }
0xba: {  	_ =	task [dreg:s22], $0x5FFFF  }
0xbb: {  	[dreg:$0x1] =	wrdreg $0xFFFFFFFF  }
0xbc: {  	[dreg:$0x0] =	wrdreg $0x60  }
0xbd: {  	[dreg:$0x2] =	wrdreg s24  }
0xbe: {  	[dreg:$0x3] =	wrdreg $0xA  }
0xbf: {  	_ =	task.clear_ibuf [dreg:s22], $0x4FFFF;
	_ =	strace $0x90000049  }
0xc0: {  	s29 =	simm.s32 $0xA;
	_ =	strace $0x8000004B  }
0xc1: {  	_ =	swait.ge [sflag:s29], $0x1  }
0xc2: {  	[sflag:s29] =	ssyncadd.s32 $0xFFFFFFFF  }
0xc3: {  	_ =	strace $0x9000004B  }
0xc4: {  	_ =	sfence  }
0xc5: {  	s30 =	sld [smem:$0x0];
	_ =	sdelay $0x2  }
0xc6: {  	s31 =	sshll.u32 s1, $0xD;
	s1 =	sshrl.u32 s1, $0x2  }
0xc7: {  	s4 =	sand.u32 $0x4000, s31;
	s1 =	sadd.s32 s1, s30  }
0xc8: {  	s0 =	sor.u32 s4, s0;
	s1 =	sshll.u32 s1, $0x11  }
0xc9: {  	s0 =	sor.u32 s1, s0  }
0xca: {  	s0 =	sadd.s32 $0x8F2B, s0  }
0xcb: {  	[sflag:s0] =	ssyncadd.remote.s32 $0x1  }
0xcc: {  	_ =	sfence.sel $0xFFFF  }
0xcd: {  	[dreg:$0x0] =	wrdreg $0xFFFFFFFF;
	(pc) =	sbr.abs _section_cstart, $3  }
0xce: {  	[dreg:$0x1] =	wrdreg $0xFFFFFFFF  }
0xcf: {  	_ =	task.clear_ibuf [dreg:s22], $0x2FFFF;
	_ =	strace $0x9FFFFFFF  }
0xd0: {  	(tm) =	ssettm $0x7FFFFFFF  }
0xd1: {  	_ =	shalt  }
tec
execute0_lowered:
.L_overlay_start_1:
0x0: {  	(tag) =	ssettag $0x1  }
0x1: {  	s3 =	rddreg [dreg:$0x0];
	s1 =	srdreg.scid  }
0x2: {  	s0 =	rddreg [dreg:$0x1];
	s4 =	sand.u32 $0x1, s1  }
0x3: {  	s1 =	stileid.u32;
	s6 =	smul.u32 $0x280000, s4  }
0x4: {  	s2 =	simm.s32 $0x0;
	s5 =	sshll.u32 s4, $0x4;
	s7 =	smul.u32 $0x28000, s1  }
0x5: {  	s8 =	simm.s32 $0x2800;
	s9 =	simm.s32 $0x0;
	s5 =	sor.u32 s1, s5  }
0x6: {  	[smem:$0x7FF] =	sst s2;
	s5 =	smul.u32 $0x500, s5;
	s6 =	sadd.s32 s7, s6  }
0x7: {  	_ =	strace $0x8000004A;
	s4 =	ssub.s32 $0x2, s4;
	s6 =	sshrl.u32 s6, $0x3  }
0x8: {  	s31 =	sshrl.u32 s4, $0x1;
	s5 =	sadd.s32 s5, s3;
	s6 =	sadd.s32 s6, s3  }
0x9: {  	s7 =	ssub.s32 s4, s31;
	s3 =	sadd.s32 $0x2A400, s5;
	s4 =	sadd.s32 $0x84400, s6  }
0xa: {  	v0 =	vimm.f32 $0.0e+00;
	v1 =	vlaneseq.u32;
	v2 =	vimm.f32 $1.000000000e+00;
	s5 =	sadd.s32 $0x86C00, s6;
	s6 =	smax.u32 s7, $0x1;
	s7 =	simm.s32 $0x1  }
.LBB2_1:
0xb: {  	[tilespmem:s2], [sflag:$0x1] =	stream.linear.gather [hbm4b:s3+s2], $0x2800, $0x38;
	[tilespmem:$0x16800] =	vst v63  }
0xc: {  	_ =	swait.ge [sflag:s7], $0x2800  }
0xd: {  	[sflag:s7] =	ssyncset.done $0x0  }
0xe: {  	s10 =	simm.s32 $0x70;
	s11 =	simm.s32 $0x3C0;
	[sflag:s7] =	ssyncadd.s32 $0xFFFFD800  }
.LBB2_2:
0xf: {  	p0 =	sne.s32 s11, $0x4FFC0;
	[tilespmem:s10+$0x2800] =	vst v0  }
0x10: {  	[tilespmem:s10+$0x2790] =	vst v0  }
0x11: {  	[tilespmem:s10+$0x27A0] =	vst v0  }
.Ltmp0:
0x12: {  	[tilespmem:s10+$0x27B0] =	vst v0;
	(pc) =	sbr.rel @p0 .LBB2_2-.Ltmp0, $4  }
0x13: {  	[tilespmem:s10+$0x27C0] =	vst v0  }
0x14: {  	[tilespmem:s10+$0x27D0] =	vst v0  }
0x15: {  	[tilespmem:s10+$0x27E0] =	vst v0  }
0x16: {  	[tilespmem:s10+$0x27F0] =	vst v0;
	s10 =	sshra.s32 s11, $0x2;
	s11 =	sadd.s32 $0x200, s11  }
0x17: {  	[tilespmem:s10+$0x2800] =	vst v0  }
0x18: {  	[tilespmem:s10+$0x2790] =	vst v0  }
0x19: {  	[tilespmem:s10+$0x27A0] =	vst v0  }
0x1a: {  	[tilespmem:s10+$0x27B0] =	vst v0  }
0x1b: {  	[tilespmem:s10+$0x27C0] =	vst v0  }
0x1c: {  	[tilespmem:s10+$0x27D0] =	vst v0  }
0x1d: {  	[tilespmem:s10+$0x27E0] =	vst v0  }
0x1e: {  	[tilespmem:s10+$0x27F0] =	vst v0;
	s10 =	simm.s32 $0x0  }
.LBB2_4:
0x1f: {  	s11 =	sshra.s32 s10, $0x2  }
0x20: {  	v3 =	vld [tilespmem:s11+$0x0];
	_ =	sdelay $0x4  }
0x21: {  	vm0 =	vgt.s32 v3, $0x0  }
0x22: {  	v4 =	vnsel vm0, $0x0, v3  }
0x23: {  	v4 =	vmin.u32 v4, $0x13FF  }
0x24: {  	vm13 =	vlt.u32 v3, $0x1400;
	v3 =	vshll.u32 v4, $0x4  }
0x25: {  	v3 =	vor.u32 v1, v3;
	_ =	sdelay $0x4  }
0x26: {  	[tilespmem:v3+s8+$0x0] =	vst.idx.add.f32.msk vm13, v2  }
0x27: {  	v3 =	vld [tilespmem:s11+$0x10];
	_ =	sdelay $0x4  }
0x28: {  	vm14 =	vgt.s32 v3, $0x0  }
0x29: {  	v57 =	vnsel vm14, $0x0, v3  }
0x2a: {  	v4 =	vmin.u32 v57, $0x13FF  }
0x2b: {  	vm15 =	vlt.u32 v3, $0x1400;
	v3 =	vshll.u32 v4, $0x4  }
0x2c: {  	v3 =	vor.u32 v1, v3;
	_ =	sdelay $0x4  }
0x2d: {  	[tilespmem:v3+s8+$0x0] =	vst.idx.add.f32.msk vm15, v2  }
0x2e: {  	v3 =	vld [tilespmem:s11+$0x20];
	_ =	sdelay $0x4  }
0x2f: {  	vm4 =	vgt.s32 v3, $0x0  }
0x30: {  	v58 =	vnsel vm4, $0x0, v3  }
0x31: {  	v4 =	vmin.u32 v58, $0x13FF  }
0x32: {  	vm5 =	vlt.u32 v3, $0x1400;
	v3 =	vshll.u32 v4, $0x4  }
0x33: {  	v3 =	vor.u32 v1, v3;
	_ =	sdelay $0x4  }
0x34: {  	[tilespmem:v3+s8+$0x0] =	vst.idx.add.f32.msk vm5, v2  }
0x35: {  	v3 =	vld [tilespmem:s11+$0x30];
	_ =	sdelay $0x4  }
0x36: {  	vm6 =	vgt.s32 v3, $0x0  }
0x37: {  	v59 =	vnsel vm6, $0x0, v3  }
0x38: {  	v4 =	vmin.u32 v59, $0x13FF  }
0x39: {  	vm7 =	vlt.u32 v3, $0x1400;
	v3 =	vshll.u32 v4, $0x4  }
0x3a: {  	v3 =	vor.u32 v1, v3;
	_ =	sdelay $0x4  }
0x3b: {  	[tilespmem:v3+s8+$0x0] =	vst.idx.add.f32.msk vm7, v2  }
0x3c: {  	v3 =	vld [tilespmem:s11+$0x40];
	_ =	sdelay $0x4  }
0x3d: {  	vm8 =	vgt.s32 v3, $0x0  }
0x3e: {  	v60 =	vnsel vm8, $0x0, v3  }
0x3f: {  	v4 =	vmin.u32 v60, $0x13FF  }
0x40: {  	vm9 =	vlt.u32 v3, $0x1400;
	v3 =	vshll.u32 v4, $0x4  }
0x41: {  	v3 =	vor.u32 v1, v3;
	_ =	sdelay $0x4  }
0x42: {  	[tilespmem:v3+s8+$0x0] =	vst.idx.add.f32.msk vm9, v2  }
0x43: {  	v3 =	vld [tilespmem:s11+$0x50];
	_ =	sdelay $0x4  }
0x44: {  	vm10 =	vgt.s32 v3, $0x0  }
0x45: {  	v61 =	vnsel vm10, $0x0, v3  }
0x46: {  	v4 =	vmin.u32 v61, $0x13FF  }
0x47: {  	vm11 =	vlt.u32 v3, $0x1400;
	v3 =	vshll.u32 v4, $0x4  }
0x48: {  	v3 =	vor.u32 v1, v3;
	_ =	sdelay $0x4  }
0x49: {  	[tilespmem:v3+s8+$0x0] =	vst.idx.add.f32.msk vm11, v2  }
0x4a: {  	v3 =	vld [tilespmem:s11+$0x60];
	_ =	sdelay $0x4  }
0x4b: {  	vm12 =	vgt.s32 v3, $0x0  }
0x4c: {  	v62 =	vnsel vm12, $0x0, v3  }
0x4d: {  	v4 =	vmin.u32 v62, $0x13FF  }
0x4e: {  	vm13 =	vlt.u32 v3, $0x1400;
	v3 =	vshll.u32 v4, $0x4  }
0x4f: {  	v3 =	vor.u32 v1, v3;
	_ =	sdelay $0x4  }
0x50: {  	[tilespmem:v3+s8+$0x0] =	vst.idx.add.f32.msk vm13, v2  }
0x51: {  	v3 =	vld [tilespmem:s11+$0x70];
	_ =	sdelay $0x4  }
0x52: {  	vm14 =	vgt.s32 v3, $0x0  }
0x53: {  	v63 =	vnsel vm14, $0x0, v3  }
0x54: {  	v4 =	vmin.u32 v63, $0x13FF  }
0x55: {  	vm15 =	vlt.u32 v3, $0x1400;
	v3 =	vshll.u32 v4, $0x4  }
0x56: {  	p0 =	sne.s32 s10, $0x9E00;
	v3 =	vor.u32 v1, v3  }
.Ltmp1:
0x57: {  	_ = 	snop;
	(pc) =	sbr.rel @p0 .LBB2_4-.Ltmp1, $2  }
0x58: {  	_ =	sdelay $0x2  }
0x59: {  	s10 =	sadd.s32 $0x200, s10;
	[tilespmem:v3+s8+$0x0] =	vst.idx.add.f32.msk vm15, v2  }
0x5a: {  	[hbm4b:s4+s2] =	stream.linear.scatter [tilespmem:s8], [sflag:$0x1], $0x14000, $0x38;
	[tilespmem:$0x16800] =	vst v63  }
0x5b: {  	_ =	swait.ge [sflag:s7], $0x14000  }
0x5c: {  	[sflag:s7] =	ssyncset.done $0x0  }
0x5d: {  	s10 =	simm.s32 $0x70;
	s11 =	simm.s32 $0x3C0;
	[sflag:s7] =	ssyncadd.s32 $0xFFFEC000  }
.LBB2_6:
0x5e: {  	p0 =	sne.s32 s11, $0x4FFC0;
	[tilespmem:s10+$0x2800] =	vst v0  }
0x5f: {  	[tilespmem:s10+$0x2790] =	vst v0  }
0x60: {  	[tilespmem:s10+$0x27A0] =	vst v0  }
.Ltmp2:
0x61: {  	[tilespmem:s10+$0x27B0] =	vst v0;
	(pc) =	sbr.rel @p0 .LBB2_6-.Ltmp2, $4  }
0x62: {  	[tilespmem:s10+$0x27C0] =	vst v0  }
0x63: {  	[tilespmem:s10+$0x27D0] =	vst v0  }
0x64: {  	[tilespmem:s10+$0x27E0] =	vst v0  }
0x65: {  	[tilespmem:s10+$0x27F0] =	vst v0;
	s10 =	sshra.s32 s11, $0x2;
	s11 =	sadd.s32 $0x200, s11  }
0x66: {  	[tilespmem:s10+$0x2800] =	vst v0  }
0x67: {  	[tilespmem:s10+$0x2790] =	vst v0  }
0x68: {  	[tilespmem:s10+$0x27A0] =	vst v0  }
0x69: {  	[tilespmem:s10+$0x27B0] =	vst v0  }
0x6a: {  	[tilespmem:s10+$0x27C0] =	vst v0  }
0x6b: {  	[tilespmem:s10+$0x27D0] =	vst v0  }
0x6c: {  	[tilespmem:s10+$0x27E0] =	vst v0  }
0x6d: {  	[tilespmem:s10+$0x27F0] =	vst v0;
	s10 =	simm.s32 $0x0  }
.LBB2_8:
0x6e: {  	s11 =	sshra.s32 s10, $0x2  }
0x6f: {  	v3 =	vld [tilespmem:s11+$0x0];
	_ =	sdelay $0x4  }
0x70: {  	v3 =	vadd.s32 $0xFFFFEC00, v3  }
0x71: {  	vm0 =	vgt.s32 v3, $0x0  }
0x72: {  	v4 =	vnsel vm0, $0x0, v3  }
0x73: {  	v4 =	vmin.u32 v4, $0x13FF  }
0x74: {  	vm13 =	vlt.u32 v3, $0x1400;
	v3 =	vshll.u32 v4, $0x4  }
0x75: {  	v3 =	vor.u32 v1, v3;
	_ =	sdelay $0x4  }
0x76: {  	[tilespmem:v3+s8+$0x0] =	vst.idx.add.f32.msk vm13, v2  }
0x77: {  	v3 =	vld [tilespmem:s11+$0x10];
	_ =	sdelay $0x4  }
0x78: {  	v3 =	vadd.s32 $0xFFFFEC00, v3  }
0x79: {  	vm14 =	vgt.s32 v3, $0x0  }
0x7a: {  	v57 =	vnsel vm14, $0x0, v3  }
0x7b: {  	v4 =	vmin.u32 v57, $0x13FF  }
0x7c: {  	vm15 =	vlt.u32 v3, $0x1400;
	v3 =	vshll.u32 v4, $0x4  }
0x7d: {  	v3 =	vor.u32 v1, v3;
	_ =	sdelay $0x4  }
0x7e: {  	[tilespmem:v3+s8+$0x0] =	vst.idx.add.f32.msk vm15, v2  }
0x7f: {  	v3 =	vld [tilespmem:s11+$0x20];
	_ =	sdelay $0x4  }
0x80: {  	v3 =	vadd.s32 $0xFFFFEC00, v3  }
0x81: {  	vm4 =	vgt.s32 v3, $0x0  }
0x82: {  	v58 =	vnsel vm4, $0x0, v3  }
0x83: {  	v4 =	vmin.u32 v58, $0x13FF  }
0x84: {  	vm5 =	vlt.u32 v3, $0x1400;
	v3 =	vshll.u32 v4, $0x4  }
0x85: {  	v3 =	vor.u32 v1, v3;
	_ =	sdelay $0x4  }
0x86: {  	[tilespmem:v3+s8+$0x0] =	vst.idx.add.f32.msk vm5, v2  }
0x87: {  	v3 =	vld [tilespmem:s11+$0x30];
	_ =	sdelay $0x4  }
0x88: {  	v3 =	vadd.s32 $0xFFFFEC00, v3  }
0x89: {  	vm6 =	vgt.s32 v3, $0x0  }
0x8a: {  	v59 =	vnsel vm6, $0x0, v3  }
0x8b: {  	v4 =	vmin.u32 v59, $0x13FF  }
0x8c: {  	vm7 =	vlt.u32 v3, $0x1400;
	v3 =	vshll.u32 v4, $0x4  }
0x8d: {  	v3 =	vor.u32 v1, v3;
	_ =	sdelay $0x4  }
0x8e: {  	[tilespmem:v3+s8+$0x0] =	vst.idx.add.f32.msk vm7, v2  }
0x8f: {  	v3 =	vld [tilespmem:s11+$0x40];
	_ =	sdelay $0x4  }
0x90: {  	v3 =	vadd.s32 $0xFFFFEC00, v3  }
0x91: {  	vm8 =	vgt.s32 v3, $0x0  }
0x92: {  	v60 =	vnsel vm8, $0x0, v3  }
0x93: {  	v4 =	vmin.u32 v60, $0x13FF  }
0x94: {  	vm9 =	vlt.u32 v3, $0x1400;
	v3 =	vshll.u32 v4, $0x4  }
0x95: {  	v3 =	vor.u32 v1, v3;
	_ =	sdelay $0x4  }
0x96: {  	[tilespmem:v3+s8+$0x0] =	vst.idx.add.f32.msk vm9, v2  }
0x97: {  	v3 =	vld [tilespmem:s11+$0x50];
	_ =	sdelay $0x4  }
0x98: {  	v3 =	vadd.s32 $0xFFFFEC00, v3  }
0x99: {  	vm10 =	vgt.s32 v3, $0x0  }
0x9a: {  	v61 =	vnsel vm10, $0x0, v3  }
0x9b: {  	v4 =	vmin.u32 v61, $0x13FF  }
0x9c: {  	vm11 =	vlt.u32 v3, $0x1400;
	v3 =	vshll.u32 v4, $0x4  }
0x9d: {  	v3 =	vor.u32 v1, v3;
	_ =	sdelay $0x4  }
0x9e: {  	[tilespmem:v3+s8+$0x0] =	vst.idx.add.f32.msk vm11, v2  }
0x9f: {  	v3 =	vld [tilespmem:s11+$0x60];
	_ =	sdelay $0x4  }
0xa0: {  	v3 =	vadd.s32 $0xFFFFEC00, v3  }
0xa1: {  	vm12 =	vgt.s32 v3, $0x0  }
0xa2: {  	v62 =	vnsel vm12, $0x0, v3  }
0xa3: {  	v4 =	vmin.u32 v62, $0x13FF  }
0xa4: {  	vm13 =	vlt.u32 v3, $0x1400;
	v3 =	vshll.u32 v4, $0x4  }
0xa5: {  	v3 =	vor.u32 v1, v3;
	_ =	sdelay $0x4  }
0xa6: {  	[tilespmem:v3+s8+$0x0] =	vst.idx.add.f32.msk vm13, v2  }
0xa7: {  	v3 =	vld [tilespmem:s11+$0x70];
	_ =	sdelay $0x4  }
0xa8: {  	v3 =	vadd.s32 $0xFFFFEC00, v3  }
0xa9: {  	vm14 =	vgt.s32 v3, $0x0  }
0xaa: {  	v63 =	vnsel vm14, $0x0, v3  }
0xab: {  	v4 =	vmin.u32 v63, $0x13FF  }
0xac: {  	vm15 =	vlt.u32 v3, $0x1400;
	v3 =	vshll.u32 v4, $0x4  }
0xad: {  	p0 =	sne.s32 s10, $0x9E00;
	v3 =	vor.u32 v1, v3  }
.Ltmp3:
0xae: {  	_ = 	snop;
	(pc) =	sbr.rel @p0 .LBB2_8-.Ltmp3, $2  }
0xaf: {  	_ =	sdelay $0x2  }
0xb0: {  	s10 =	sadd.s32 $0x200, s10;
	[tilespmem:v3+s8+$0x0] =	vst.idx.add.f32.msk vm15, v2  }
0xb1: {  	s9 =	sadd.s32 $0x1, s9  }
0xb2: {  	p0 =	sne.s32 s9, s6  }
.Ltmp4:
0xb3: {  	_ = 	snop;
	(pc) =	sbr.rel @p0 .LBB2_1-.Ltmp4, $4  }
0xb4: {  	[hbm4b:s5+s2] =	stream.linear.scatter [tilespmem:s8], [sflag:$0x1], $0x14000, $0x38;
	[tilespmem:$0x16800] =	vst v63  }
0xb5: {  	_ =	swait.ge [sflag:s7], $0x14000  }
0xb6: {  	[sflag:s7] =	ssyncset.done $0x0  }
0xb7: {  	[sflag:s7] =	ssyncadd.s32 $0xFFFEC000  }
0xb8: {  	_ =	sfence.sel $0x180000  }
0xb9: {  	[bflag:$0x0] =	sbarrier.arrive $0xFFFF  }
0xba: {  	p0 =	sne.s32 s1, $0x0;
	_ =	strace $0x9000004A  }
0xbb: {  	s0 =	sadd.s32 @!p0 $0x100000, s0;
	[bflag:$0x2] =	sbarrier.arrive $0xFFFF  }
0xbc: {  	[sflag:s0] =	ssyncadd.tile.s32 @!p0 $0x1;
	_ =	shalt  }
.Lfunc_end2:
_tile_overlayer_lowered:
.L_overlay_start_2:
0xbd: {  	(tag) =	ssettag $0x2  }
0xbe: {  	s0 =	rddreg [dreg:$0x0];
	s2 =	stileid.u32  }
0xbf: {  	s1 =	rddreg [dreg:$0x1];
	p0 =	sne.s32 s2, $0x0  }
0xc0: {  	s3 =	rddreg [dreg:$0x2];
	[bflag:$0x3] =	sbarrier.arrive $0xFFFF;
	s2 =	simm.s32 @!p0 $0x1C01  }
0xc1: {  	[timem:s3], [sflag:s2] =	dma.local @!p0 [hbm:s0], s1  }
0xc2: {  	s0 =	simm.s32 @!p0 $0x1  }
0xc3: {  	_ =	swait.ge @!p0 [sflag:s0], s1  }
0xc4: {  	s1 =	ssub.s32 @!p0 $0x0, s1;
	[sflag:s0] =	ssyncset.done @!p0 $0x0  }
0xc5: {  	[sflag:s0] =	ssyncadd.s32 @!p0 s1  }
0xc6: {  	[bflag:$0x3] =	sbarrier.arrive $0xFFFF  }
0xc7: {  	_ =	shalt  }

// kernel: kernel.13.cloned.1.call-start
scs
__scs_entry_jumppad:
0x0: {  	(pc) =	sbr.rel $0x88, $3  }
0x1: {  	(tag) =	ssettag $0x0;
	lr =	simm.s32 $0x1  }
0x2: {  	[smem:$0x3F99] =	sst lr;
	_ =	strace $0xD0000000  }
0x3: {  	_ = 	snop  }
0x4: {  	_ = 	snop  }
0x5: {  	_ = 	snop  }
0x6: {  	_ = 	snop  }
0x7: {  	_ = 	snop  }
__scs_overlays_trampoline_lowered:
0x8: {  	[smem:$0x3FA8] =	sst s0  }
0x9: {  	[smem:$0x3FA9] =	sst s1  }
0xa: {  	[smem:$0x3FAA] =	sst s2  }
0xb: {  	[smem:$0x3FAB] =	sst s3  }
0xc: {  	[smem:$0x3FAC] =	sst s4  }
0xd: {  	[smem:$0x3FAD] =	sst s5  }
0xe: {  	[smem:$0x3FAE] =	sst s6  }
0xf: {  	[smem:$0x3FAF] =	sst s7  }
0x10: {  	[smem:$0x3FB0] =	sst s8  }
0x11: {  	[smem:$0x3FB1] =	sst s9;
	s0 =	simm.s32 @!p0 $0x0  }
0x12: {  	s1 =	sld [smem:$0x3F97];
	s0 =	simm.s32 @p0 $0x1  }
0x13: {  	[smem:$0x3FB2] =	sst s0;
	s0 =	simm.s32 @!p1 $0x0  }
0x14: {  	s2 =	sld [smem:$0x3F96];
	s0 =	simm.s32 @p1 $0x1  }
0x15: {  	[smem:$0x3FB3] =	sst s0;
	s0 =	simm.s32 @!p2 $0x0  }
0x16: {  	s3 =	sld [smem:$0x3FDB];
	s0 =	simm.s32 @p2 $0x1  }
0x17: {  	s4 =	simm.s32 $0x1BF5;
	[smem:$0x3FB5] =	sst s0  }
0x18: {  	s0 =	sld [smem:$0x3F98];
	_ =	swait.ge [sflag:s4], $0x0  }
0x19: {  	s7 =	sld [smem:$0x3F99]  }
0x1a: {  	s8 =	sadd.s32 $0xFFFFE003, lr  }
0x1b: {  	s9 =	sadd.s32 $0xFFFFFEF7, lr;
	s5 =	simm.s32 $0xFFFFFFFF;
	p2 =	slt.u32 s8, $0xFFFFF086  }
0x1c: {  	p1 =	slt.u32 s9, $0xF7A;
	s5 =	simm.s32 @!p2 $0x0  }
0x1d: {  	s5 =	simm.s32 @p1 $0x1;
	p0 =	seq.s32 s7, s2  }
0x1e: {  	s7 =	smul.u32 @!p0 $0xF7A, s2;
	p2 =	seq.s32 @!p0 s5, $0x0  }
0x1f: {  	s9 =	smul.u32 $0xF7A, s1;
	s8 =	simm.s32 @!p0 $0x1BF5;
	p2 =	por !p2, p0  }
0x20: {  	[sflag:s8] =	ssyncset.s32 @!p0 $0xFFFFF086;
	s6 =	sadd.s32 @!p0 s3, s7;
	s7 =	simm.s32 @!p0 $0x108  }
0x21: {  	s3 =	sadd.s32 s3, s9;
	s6 =	sadd.s32 @!p0 $0x88, s6;
	s7 =	simm.s32 @p2 $0x1082  }
0x22: {  	[simem:s7], [sflag:s8] =	dma.local @!p0 [hbm:s6], $0xF7A  }
0x23: {  	s9 =	sor.u32 $0xD0000000, s2;
	s6 =	simm.s32 $0x108;
	_ =	swait.ge @!p0 [sflag:s8], $0x0  }
0x24: {  	s3 =	sadd.s32 $0x88, s3;
	s6 =	simm.s32 @!p1 $0x1082;
	[sflag:s4] =	ssyncset.s32 $0xFFFFF086  }
0x25: {  	[simem:s6], [sflag:s4] =	dma.local [hbm:s3], $0xF7A  }
0x26: {  	[smem:$0x3F99] =	sst s1;
	(tag) =	ssettag s2;
	_ =	strace s9  }
0x27: {  	s1 =	sld [smem:$0x3FA9]  }
0x28: {  	s2 =	sld [smem:$0x3FAA]  }
0x29: {  	s4 =	sld [smem:$0x3FAC]  }
0x2a: {  	p0 =	seq.s32 s5, $0x0;
	s5 =	sld [smem:$0x3FAD]  }
0x2b: {  	s6 =	sld [smem:$0x3FAE]  }
0x2c: {  	s7 =	sld [smem:$0x3FAF]  }
0x2d: {  	s3 =	simm.s32 $0x108;
	s8 =	sld [smem:$0x3FB0]  }
0x2e: {  	s3 =	simm.s32 @!p0 $0x1082;
	s9 =	sld [smem:$0x3FB1]  }
0x2f: {  	lr =	sadd.s32 s0, s3;
	s0 =	sld [smem:$0x3FA8]  }
0x30: {  	s3 =	sld [smem:$0x3FAB]  }
0x31: {  	[smem:$0x3FB4] =	sst s10  }
0x32: {  	s10 =	sld [smem:$0x3FB2];
	_ =	sdelay $0x3  }
0x33: {  	p0 =	seq.s32 s10, $0x1;
	s10 =	sld [smem:$0x3FB4];
	_ =	sdelay $0x3  }
0x34: {  	[smem:$0x3FB4] =	sst s10  }
0x35: {  	s10 =	sld [smem:$0x3FB3];
	_ =	sdelay $0x3  }
0x36: {  	p1 =	seq.s32 s10, $0x1;
	s10 =	sld [smem:$0x3FB4];
	_ =	sdelay $0x3  }
0x37: {  	[smem:$0x3FB4] =	sst s10  }
0x38: {  	s10 =	sld [smem:$0x3FB5]  }
0x39: {  	_ = 	snop;
	(pc) =	sbr.ind lr, $3  }
0x3a: {  	_ = 	snop  }
0x3b: {  	_ = 	snop  }
0x3c: {  	p2 =	seq.s32 s10, $0x1;
	s10 =	sld [smem:$0x3FB4]  }
0x3d: {  	_ =	shalt  }
0x3e: {  	_ =	shalt  }
0x3f: {  	_ =	shalt  }
0x40: {  	_ =	shalt  }
0x41: {  	_ =	shalt  }
0x42: {  	_ =	shalt  }
0x43: {  	_ =	shalt  }
0x44: {  	_ =	shalt  }
0x45: {  	_ =	shalt  }
0x46: {  	_ =	shalt  }
0x47: {  	_ =	shalt  }
0x48: {  	_ =	shalt  }
0x49: {  	_ =	shalt  }
0x4a: {  	_ =	shalt  }
0x4b: {  	_ =	shalt  }
0x4c: {  	_ =	shalt  }
0x4d: {  	_ =	shalt  }
0x4e: {  	_ =	shalt  }
0x4f: {  	_ =	shalt  }
0x50: {  	_ =	shalt  }
0x51: {  	_ =	shalt  }
0x52: {  	_ =	shalt  }
0x53: {  	_ =	shalt  }
0x54: {  	_ =	shalt  }
0x55: {  	_ =	shalt  }
0x56: {  	_ =	shalt  }
0x57: {  	_ =	shalt  }
0x58: {  	_ =	shalt  }
0x59: {  	_ =	shalt  }
0x5a: {  	_ =	shalt  }
0x5b: {  	_ =	shalt  }
0x5c: {  	_ =	shalt  }
0x5d: {  	_ =	shalt  }
0x5e: {  	_ =	shalt  }
0x5f: {  	_ =	shalt  }
0x60: {  	_ =	shalt  }
0x61: {  	_ =	shalt  }
0x62: {  	_ =	shalt  }
0x63: {  	_ =	shalt  }
0x64: {  	_ =	shalt  }
0x65: {  	_ =	shalt  }
0x66: {  	_ =	shalt  }
0x67: {  	_ =	shalt  }
0x68: {  	_ =	shalt  }
0x69: {  	_ =	shalt  }
0x6a: {  	_ =	shalt  }
0x6b: {  	_ =	shalt  }
0x6c: {  	_ =	shalt  }
0x6d: {  	_ =	shalt  }
0x6e: {  	_ =	shalt  }
0x6f: {  	_ =	shalt  }
0x70: {  	_ =	shalt  }
0x71: {  	_ =	shalt  }
0x72: {  	_ =	shalt  }
0x73: {  	_ =	shalt  }
0x74: {  	_ =	shalt  }
0x75: {  	_ =	shalt  }
0x76: {  	_ =	shalt  }
0x77: {  	_ =	shalt  }
0x78: {  	_ =	shalt  }
0x79: {  	_ =	shalt  }
0x7a: {  	_ =	shalt  }
0x7b: {  	_ =	shalt  }
0x7c: {  	_ =	shalt  }
0x7d: {  	_ =	shalt  }
0x7e: {  	_ =	shalt  }
0x7f: {  	_ =	shalt  }
0x80: {  	_ =	shalt  }
0x81: {  	_ =	shalt  }
0x82: {  	_ =	shalt  }
0x83: {  	_ =	shalt  }
0x84: {  	_ =	shalt  }
0x85: {  	_ =	shalt  }
0x86: {  	_ =	shalt  }
0x87: {  	_ =	shalt  }
.Lfunc_end0:
.L_simem_size_0:
called_computation.2_lowered:
.L_overlay_start_0:
0x88: {  	s2 =	sld [smem:$0x3FD9]  }
0x89: {  	s3 =	sld [smem:$0x3FFE];
	_ =	sdelay $0x1  }
0x8a: {  	s1 =	srdreg.scid  }
0x8b: {  	s0 =	sand.u32 $0x1, s1  }
0x8c: {  	s17 =	sshll.u32 s0, $0xA;
	s2 =	sadd.s32 s3, s2  }
0x8d: {  	s2 =	sadd.s32 s2, s17  }
0x8e: {  	[smem:$0x3FC0] =	sst s2  }
0x8f: {  	_ = 	snop  }
0x90: {  	s2 =	sld [smem:$0x3FD0];
	(tm) =	ssettm $0x1  }
0x91: {  	s18 =	sld [smem:$0x3FFB];
	_ =	sdelay $0x3  }
0x92: {  	_ =	strace s18  }
0x93: {  	s3 =	sld [smem:$0x3FFC];
	_ =	sdelay $0x3  }
0x94: {  	_ =	strace s3  }
0x95: {  	s3 =	sld [smem:$0x3FFD];
	_ =	sdelay $0x3  }
0x96: {  	_ =	strace s3  }
0x97: {  	_ =	strace $0x8FFFFFFF  }
0x98: {  	s19 =	sld [smem:$0x3FDB];
	_ =	sdelay $0x1  }
0x99: {  	s4 =	simm.s32 $_scs_section_size  }
0x9a: {  	s5 =	simm.s32 $_size__tile_overlayer_lowered;
	s6 =	simm.s32 $_tile_overlayer_lowered  }
0x9b: {  	s22 =	simm.s32 $0x1BFF;
	s21 =	sshll.u32 s6, $0x1;
	s3 =	sadd.s32 s4, s19  }
0x9c: {  	s7 =	simm.s32 $0x0;
	s20 =	sshll.u32 s5, $0x1;
	s5 =	sadd.s32 s21, s3  }
0x9d: {  	[timem:s7], [sflag:s22] =	dma.local [hbm:s5], s20  }
0x9e: {  	_ =	swait.ge [sflag:s22], s20  }
0x9f: {  	s4 =	ssub.s32 $0x0, s20;
	[sflag:s22] =	ssyncset.done $0x0  }
0xa0: {  	[sflag:s22] =	ssyncadd.s32 s4;
	_ =	sdelay $0x1  }
0xa1: {  	s23 =	simm.s32 $0x1B8B  }
0xa2: {  	_ =	swait.ge [sflag:s23], $0x1  }
0xa3: {  	[sflag:s23] =	ssyncset.done $0x0  }
0xa4: {  	s25 =	simm.s32 $0x1B8E;
	s24 =	sld [smem:$0x3FFE];
	[sflag:s23] =	ssyncadd.s32 $0xFFFFFFFF  }
0xa5: {  	s26 =	simm.s32 $execute0_lowered;
	[smem:$0x3FD2] =	sst s25  }
0xa6: {  	s5 =	sshll.u32 s26, $0x1;
	_ =	strace $0x8000004C;
	[dreg:$0x1] =	wrdreg $0xFFFFFFFF  }
0xa7: {  	s28 =	simm.s32 $_size_execute0_lowered;
	s3 =	sadd.s32 s3, s5;
	[dreg:$0x0] =	wrdreg $0x0  }
0xa8: {  	s5 =	sshll.u32 s28, $0x1;
	[dreg:$0x2] =	wrdreg s3  }
0xa9: {  	[dreg:$0x3] =	wrdreg s5  }
0xaa: {  	[dreg:$0x4] =	wrdreg $0xC0  }
0xab: {  	_ =	task [dreg:s7], $0x5FFFF  }
0xac: {  	[dreg:$0x1] =	wrdreg $0xFFFFFFFF  }
0xad: {  	[dreg:$0x0] =	wrdreg $0x60  }
0xae: {  	[dreg:$0x2] =	wrdreg s24  }
0xaf: {  	[dreg:$0x3] =	wrdreg s2  }
0xb0: {  	[dreg:$0x4] =	wrdreg $0xA9000  }
0xb1: {  	[dreg:$0x5] =	wrdreg $0x9  }
0xb2: {  	_ =	task.clear_ibuf [dreg:s7], $0x6FFFF;
	_ =	strace $0x9000004C  }
0xb3: {  	s29 =	simm.s32 $0x9;
	_ =	strace $0x8000004E  }
0xb4: {  	_ =	swait.ge [sflag:s29], $0x1  }
0xb5: {  	[sflag:s29] =	ssyncadd.s32 $0xFFFFFFFF  }
0xb6: {  	_ =	strace $0x9000004E  }
0xb7: {  	_ =	sfence  }
0xb8: {  	s30 =	sld [smem:$0x0];
	_ =	sdelay $0x2  }
0xb9: {  	s31 =	sshll.u32 s1, $0xD;
	s1 =	sshrl.u32 s1, $0x2  }
0xba: {  	s3 =	sand.u32 $0x4000, s31;
	s1 =	sadd.s32 s1, s30  }
0xbb: {  	s0 =	sor.u32 s3, s0;
	s1 =	sshll.u32 s1, $0x11  }
0xbc: {  	s0 =	sor.u32 s1, s0  }
0xbd: {  	s0 =	sadd.s32 $0x8F2B, s0  }
0xbe: {  	[sflag:s0] =	ssyncadd.remote.s32 $0x1  }
0xbf: {  	_ =	sfence.sel $0xFFFF  }
0xc0: {  	[dreg:$0x0] =	wrdreg $0xFFFFFFFF;
	(pc) =	sbr.abs _section_cstart, $3  }
0xc1: {  	[dreg:$0x1] =	wrdreg $0xFFFFFFFF  }
0xc2: {  	_ =	task.clear_ibuf [dreg:s7], $0x2FFFF;
	_ =	strace $0x9FFFFFFF  }
0xc3: {  	(tm) =	ssettm $0x7FFFFFFF  }
tec
execute0_lowered:
.L_overlay_start_1:
0x0: {  	(tag) =	ssettag $0x1  }
0x1: {  	s0 =	srdreg.scid;
	s7 =	rddreg [dreg:$0x0]  }
0x2: {  	s26 =	stileid.u32;
	s2 =	rddreg [dreg:$0x1];
	s5 =	simm.s32 $0x0  }
0x3: {  	s18 =	simm.s32 $0x2900;
	s19 =	simm.s32 $0x3;
	s20 =	simm.s32 $0x2  }
0x4: {  	s21 =	simm.s32 $0x80;
	s22 =	simm.s32 $0x1;
	s23 =	simm.s32 $0x6900  }
0x5: {  	s25 =	simm.s32 $0x4;
	s28 =	simm.s32 $0x0;
	s9 =	smul.u32 $0x14000, s26  }
0x6: {  	s1 =	sand.u32 $0x1, s0;
	[smem:$0x7FF] =	sst s5;
	s29 =	smul.u32 $0x50000, s26  }
0x7: {  	s6 =	sadd.s32 $0x2400, s7;
	s3 =	sshll.u32 s1, $0x4;
	s8 =	smul.u32 $0x140000, s1  }
0x8: {  	s1 =	ssub.s32 $0x2, s1;
	s4 =	sor.u32 s26, s3;
	s3 =	rddreg [dreg:$0x2]  }
0x9: {  	_ =	strace $0x8000004D;
	s12 =	sshrl.u32 s1, $0x1;
	s4 =	smul.u32 $0x2800, s4  }
0xa: {  	s30 =	sshrl.u32 s29, $0x2;
	s8 =	sadd.s32 s9, s8;
	s1 =	ssub.s32 s1, s12  }
0xb: {  	s8 =	sshrl.u32 s8, $0x3;
	s12 =	smax.u32 s1, $0x1;
	s10 =	sshrl.u32 s4, $0x3  }
0xc: {  	s13 =	sadd.s32 s8, s7;
	s8 =	sadd.s32 s30, s3;
	s11 =	sadd.s32 s10, s7  }
0xd: {  	s9 =	sadd.s32 s2, s10;
	s14 =	sadd.s32 $0x8000, s8;
	s15 =	sadd.s32 $0xC000, s8  }
0xe: {  	s16 =	sadd.s32 $0x10000, s8;
	s31 =	sadd.s32 $0x2A400, s11;
	s10 =	sadd.s32 $0x10, s9  }
0xf: {  	v0 =	vimm.f32 $0.0e+00;
	s11 =	sadd.s32 $0x34400, s13;
	s13 =	sadd.s32 $0x4000, s8;
	[dreg:$0x4] =	wrdreg s31  }
.LBB2_1:
0x10: {  	s0 =	rddreg [dreg:$0x4];
	s1 =	simm.s32 $0x100  }
0x11: {  	[tilespmem:s1], [sflag:$0x2] =	stream.linear.gather [hbm4b:s0+s5], $0x2800, $0x38;
	[tilespmem:$0x1E900] =	vst v63  }
0x12: {  	s29 =	simm.s32 $0x200;
	s1 =	simm.s32 $0x0  }
.LBB2_2:
0x13: {  	p0 =	sne.s32 s29, $0xFE00;
	[tilespmem:s1+$0x2970] =	vst v0  }
0x14: {  	[tilespmem:s1+$0x2900] =	vst v0  }
0x15: {  	[tilespmem:s1+$0x2910] =	vst v0  }
.Ltmp0:
0x16: {  	[tilespmem:s1+$0x2920] =	vst v0;
	(pc) =	sbr.rel @p0 .LBB2_2-.Ltmp0, $4  }
0x17: {  	[tilespmem:s1+$0x2930] =	vst v0  }
0x18: {  	[tilespmem:s1+$0x2940] =	vst v0  }
0x19: {  	[tilespmem:s1+$0x2950] =	vst v0  }
0x1a: {  	[tilespmem:s1+$0x2960] =	vst v0;
	s1 =	sshra.s32 s29, $0x2;
	s29 =	sadd.s32 $0x200, s29  }
0x1b: {  	[tilespmem:s1+$0x2970] =	vst v0  }
0x1c: {  	[tilespmem:s1+$0x2900] =	vst v0  }
0x1d: {  	[tilespmem:s1+$0x2910] =	vst v0  }
0x1e: {  	[tilespmem:s1+$0x2920] =	vst v0  }
0x1f: {  	[tilespmem:s1+$0x2930] =	vst v0  }
0x20: {  	[tilespmem:s1+$0x2940] =	vst v0  }
0x21: {  	[tilespmem:s1+$0x2950] =	vst v0  }
0x22: {  	[tilespmem:s1+$0x2960] =	vst v0  }
0x23: {  	[spmem:s8] =	stream.linear.scatter [tilespmem:s18], [sflag:$0x3], $0x4000, $0x38;
	[tilespmem:$0x1E900] =	vst v63  }
0x24: {  	_ =	swait.ge [sflag:s19], $0x4000  }
0x25: {  	[sflag:s19] =	ssyncset.done $0x0  }
0x26: {  	[sflag:s19] =	ssyncadd.s32 $0xFFFFC000  }
0x27: {  	[spmem:s13] =	stream.linear.scatter [tilespmem:s18], [sflag:$0x3], $0x4000, $0x38;
	[tilespmem:$0x1E900] =	vst v63  }
0x28: {  	_ =	swait.ge [sflag:s19], $0x4000  }
0x29: {  	[sflag:s19] =	ssyncset.done $0x0  }
0x2a: {  	[sflag:s19] =	ssyncadd.s32 $0xFFFFC000  }
0x2b: {  	[spmem:s14] =	stream.linear.scatter [tilespmem:s18], [sflag:$0x3], $0x4000, $0x38;
	[tilespmem:$0x1E900] =	vst v63  }
0x2c: {  	_ =	swait.ge [sflag:s19], $0x4000  }
0x2d: {  	[sflag:s19] =	ssyncset.done $0x0  }
0x2e: {  	[sflag:s19] =	ssyncadd.s32 $0xFFFFC000  }
0x2f: {  	[spmem:s15] =	stream.linear.scatter [tilespmem:s18], [sflag:$0x3], $0x4000, $0x38;
	[tilespmem:$0x1E900] =	vst v63  }
0x30: {  	_ =	swait.ge [sflag:s19], $0x4000  }
0x31: {  	[sflag:s19] =	ssyncset.done $0x0  }
0x32: {  	[sflag:s19] =	ssyncadd.s32 $0xFFFFC000  }
0x33: {  	[spmem:s16] =	stream.linear.scatter [tilespmem:s18], [sflag:$0x3], $0x4000, $0x38;
	[tilespmem:$0x1E900] =	vst v63  }
0x34: {  	_ =	swait.ge [sflag:s19], $0x4000  }
0x35: {  	[sflag:s19] =	ssyncset.done $0x0  }
0x36: {  	[sflag:s19] =	ssyncadd.s32 $0xFFFFC000  }
0x37: {  	_ =	swait.ge [sflag:s20], $0x2800  }
0x38: {  	[sflag:s20] =	ssyncset.done $0x0  }
0x39: {  	[sflag:s20] =	ssyncadd.s32 $0xFFFFD800  }
0x3a: {  	s0 =	simm.s32 $0x0;
	[bflag:$0x0] =	sbarrier.arrive $0xFFFF  }
0x3b: {  	[tilespmem:s0], [sflag:$0x2] =	stream.linear.gather [hbm4b:s9+s0], $0x80, $0x38;
	[tilespmem:$0x1E900] =	vst v63  }
0x3c: {  	_ =	swait.ge [sflag:s20], $0x80  }
0x3d: {  	[sflag:s20] =	ssyncset.done $0x0  }
0x3e: {  	[sflag:s20] =	ssyncadd.s32 $0xFFFFFF80  }
0x3f: {  	[tilespmem:s18], [sflag:$0x1] =	stream.indirect.gather [hbm4b:s6+s21], $0x80, s0, s21, $0xb8;
	[tilespmem:$0x1E900] =	vst v63  }
0x40: {  	s29 =	simm.s32 $0x100;
	s1 =	sand.u32 $0x1, s0  }
0x41: {  	[tilespmem:s21], [sflag:$0x2] =	stream.linear.gather [hbm4b:s10+s0], $0x80, $0x38;
	[tilespmem:$0x1E900] =	vst v63  }
0x42: {  	s30 =	sand.u32 $0x380, s29;
	s31 =	sand.u32 $0x7C00, s29;
	_ =	swait.ge [sflag:s20], $0x80  }
0x43: {  	p0 =	seq.s32 s1, $0x0;
	s7 =	sadd.s32 s4, s31;
	[sflag:s20] =	ssyncset.done $0x0  }
0x44: {  	s17 =	simm.s32 @p0 $0x6900;
	s0 =	simm.s32 @p0 $0x80;
	[sflag:s20] =	ssyncadd.s32 $0xFFFFFF80  }
0x45: {  	[tilespmem:s17], [sflag:$0x1] =	stream.indirect.gather @p0 [hbm4b:s6+s0], $0x80, s0, s0, $0xb8;
	[tilespmem:$0x1E900] =	vst v63  }
0x46: {  	s24 =	simm.s32 @!p0 $0x2900;
	s31 =	simm.s32 @!p0 $0x0;
	s17 =	simm.s32 @!p0 $0x80  }
0x47: {  	[tilespmem:s24], [sflag:$0x1] =	stream.indirect.gather @!p0 [hbm4b:s6+s17], $0x80, s31, s17, $0xb8;
	[tilespmem:$0x1E900] =	vst v63  }
0x48: {  	s0 =	sor.u32 s30, s7;
	_ =	swait.ge [sflag:s22], $0x4000  }
0x49: {  	s26 =	sshll.u32 s1, $0x7;
	s0 =	sshrl.u32 s0, $0x3;
	[sflag:s22] =	ssyncset.done $0x0  }
0x4a: {  	s0 =	sadd.s32 s2, s0;
	p0 =	sne.s32 s1, $0x0;
	[sflag:s22] =	ssyncadd.s32 $0xFFFFC000  }
0x4b: {  	[tilespmem:s26], [sflag:$0x2] =	stream.linear.gather [hbm4b:s0+s5], $0x80, $0x38;
	[tilespmem:$0x1E900] =	vst v63  }
0x4c: {  	s1 =	simm.s32 @p0 $0x6900;
	s0 =	simm.s32 @p0 $0x80  }
0x4d: {  	[spmem:s3] =	stream.indirect.scatter.add.f32 @p0 [tilespmem:s1], [sflag:$0x3], $0x80, s29, s0, $0xb8;
	[tilespmem:$0x1E900] =	vst v63  }
0x4e: {  	s0 =	simm.s32 @!p0 $0x80;
	s1 =	simm.s32 @!p0 $0x2900  }
0x4f: {  	[spmem:s3] =	stream.indirect.scatter.add.f32 @!p0 [tilespmem:s1], [sflag:$0x4], $0x80, s29, s0, $0xb8;
	[tilespmem:$0x1E900] =	vst v63  }
0x50: {  	s1 =	simm.s32 @!p0 $0x4  }
0x51: {  	s30 =	simm.s32 $0x180;
	s31 =	simm.s32 $0x1;
	s1 =	simm.s32 @p0 $0x3  }
.LBB2_4:
0x52: {  	_ =	swait.ge [sflag:s1], $0x4000  }
0x53: {  	s29 =	sadd.s32 $0x80, s29;
	s0 =	smov.u32 s30;
	s30 =	sadd.s32 $0x80, s30  }
0x54: {  	p0 =	sne.s32 s30, $0x2800;
	[sflag:s1] =	ssyncset.done $0x0  }
0x55: {  	s17 =	sand.u32 $0x1, s31;
	s24 =	sand.u32 $0x380, s0;
	[sflag:s1] =	ssyncadd.s32 $0xFFFFC000  }
0x56: {  	p1 =	seq.s32 s17, $0x0;
	s0 =	sand.u32 $0x7C00, s0;
	_ =	swait.ge [sflag:s20], $0x80  }
0x57: {  	s1 =	simm.s32 @p1 $0x80;
	s26 =	simm.s32 @p1 $0x6900;
	[sflag:s20] =	ssyncset.done $0x0  }
0x58: {  	s7 =	simm.s32 @!p1 $0x2900;
	s0 =	sadd.s32 s4, s0;
	[sflag:s20] =	ssyncadd.s32 $0xFFFFFF80  }
0x59: {  	[tilespmem:s26], [sflag:$0x1] =	stream.indirect.gather @p1 [hbm4b:s6+s1], $0x80, s1, s1, $0xb8;
	[tilespmem:$0x1E900] =	vst v63  }
0x5a: {  	s0 =	sor.u32 s24, s0;
	s1 =	simm.s32 @!p1 $0x80;
	s26 =	simm.s32 @!p1 $0x0  }
0x5b: {  	[tilespmem:s7], [sflag:$0x1] =	stream.indirect.gather @!p1 [hbm4b:s6+s1], $0x80, s26, s1, $0xb8;
	[tilespmem:$0x1E900] =	vst v63  }
0x5c: {  	s0 =	sshrl.u32 s0, $0x3;
	_ =	swait.ge [sflag:s22], $0x4000  }
0x5d: {  	s0 =	sadd.s32 s2, s0;
	s7 =	sshll.u32 s17, $0x7;
	[sflag:s22] =	ssyncset.done $0x0  }
0x5e: {  	p1 =	sne.s32 s17, $0x0;
	[sflag:s22] =	ssyncadd.s32 $0xFFFFC000  }
0x5f: {  	s17 =	simm.s32 @p1 $0x80;
	s24 =	simm.s32 @p1 $0x6900;
	s1 =	simm.s32 @!p1 $0x4  }
0x60: {  	[tilespmem:s7], [sflag:$0x2] =	stream.linear.gather [hbm4b:s0+s5], $0x80, $0x38;
	[tilespmem:$0x1E900] =	vst v63  }
.Ltmp1:
0x61: {  	_ = 	snop;
	(pc) =	sbr.rel @p0 .LBB2_4-.Ltmp1, $4  }
0x62: {  	s0 =	simm.s32 @!p1 $0x80;
	s7 =	simm.s32 @!p1 $0x2900  }
0x63: {  	[spmem:s3] =	stream.indirect.scatter.add.f32 @p1 [tilespmem:s24], [sflag:$0x3], $0x80, s29, s17, $0xb8;
	[tilespmem:$0x1E900] =	vst v63  }
0x64: {  	s31 =	sadd.s32 $0x1, s31;
	s1 =	simm.s32 @p1 $0x3  }
0x65: {  	[spmem:s3] =	stream.indirect.scatter.add.f32 @!p1 [tilespmem:s7], [sflag:$0x4], $0x80, s29, s0, $0xb8;
	[tilespmem:$0x1E900] =	vst v63  }
0x66: {  	_ =	swait.ge [sflag:s1], $0x4000  }
0x67: {  	[sflag:s1] =	ssyncset.done $0x0  }
0x68: {  	[sflag:s1] =	ssyncadd.s32 $0xFFFFC000  }
0x69: {  	_ =	swait.ge [sflag:s20], $0x80  }
0x6a: {  	[sflag:s20] =	ssyncset.done $0x0  }
0x6b: {  	[sflag:s20] =	ssyncadd.s32 $0xFFFFFF80  }
0x6c: {  	[tilespmem:s23], [sflag:$0x1] =	stream.indirect.gather [hbm4b:s6+s21], $0x80, s21, s21, $0xb8;
	[tilespmem:$0x1E900] =	vst v63  }
0x6d: {  	_ =	swait.ge [sflag:s22], $0x4000  }
0x6e: {  	[sflag:s22] =	ssyncset.done $0x0  }
0x6f: {  	s0 =	simm.s32 $0x2800;
	[sflag:s22] =	ssyncadd.s32 $0xFFFFC000  }
0x70: {  	[spmem:s3] =	stream.indirect.scatter.add.f32 [tilespmem:s18], [sflag:$0x4], $0x80, s0, s21, $0xb8;
	[tilespmem:$0x1E900] =	vst v63  }
0x71: {  	_ =	swait.ge [sflag:s25], $0x4000  }
0x72: {  	[sflag:s25] =	ssyncset.done $0x0  }
0x73: {  	[sflag:s25] =	ssyncadd.s32 $0xFFFFC000  }
0x74: {  	_ =	swait.ge [sflag:s22], $0x4000  }
0x75: {  	[sflag:s22] =	ssyncset.done $0x0  }
0x76: {  	s29 =	simm.s32 $0x2880;
	[sflag:s22] =	ssyncadd.s32 $0xFFFFC000  }
0x77: {  	[spmem:s3] =	stream.indirect.scatter.add.f32 [tilespmem:s23], [sflag:$0x3], $0x80, s29, s21, $0xb8;
	[tilespmem:$0x1E900] =	vst v63  }
0x78: {  	s30 =	stileid.u32;
	_ =	swait.ge [sflag:s19], $0x4000  }
0x79: {  	s31 =	sshrl.u32 s8, $0x3;
	s28 =	sadd.s32 $0x1, s28;
	[sflag:s19] =	ssyncset.done $0x0  }
0x7a: {  	p0 =	sne.s32 s28, s12;
	s0 =	sshll.u32 s30, $0x6;
	[sflag:s19] =	ssyncadd.s32 $0xFFFFC000  }
.Ltmp2:
0x7b: {  	s0 =	sor.u32 $0x1C03, s0;
	[bflag:$0x0] =	sbarrier.arrive $0xFFFF;
	(pc) =	sbr.rel @p0 .LBB2_1-.Ltmp2, $4  }
0x7c: {  	[hbm:s11], [sflag:s0] =	dma.local [spmem:s31], $0x2800  }
0x7d: {  	_ =	swait.ge [sflag:s19], $0x2800  }
0x7e: {  	[sflag:s19] =	ssyncset.done $0x0  }
0x7f: {  	[sflag:s19] =	ssyncadd.s32 $0xFFFFD800  }
0x80: {  	_ =	sfence.sel $0x180000  }
0x81: {  	[bflag:$0x0] =	sbarrier.arrive $0xFFFF  }
0x82: {  	_ =	strace $0x9000004D  }
0x83: {  	s0 =	stileid.u32;
	[bflag:$0x2] =	sbarrier.arrive $0xFFFF  }
0x84: {  	p0 =	sne.s32 s0, $0x0;
	s0 =	rddreg [dreg:$0x3]  }
0x85: {  	s0 =	sadd.s32 @!p0 $0x100000, s0  }
0x86: {  	[sflag:s0] =	ssyncadd.tile.s32 @!p0 $0x1;
	_ =	shalt  }
.Lfunc_end2:
_tile_overlayer_lowered:
.L_overlay_start_2:
0x87: {  	(tag) =	ssettag $0x2  }
0x88: {  	s0 =	rddreg [dreg:$0x0];
	s2 =	stileid.u32  }
0x89: {  	s1 =	rddreg [dreg:$0x1];
	p0 =	sne.s32 s2, $0x0  }
0x8a: {  	s3 =	rddreg [dreg:$0x2];
	[bflag:$0x3] =	sbarrier.arrive $0xFFFF;
	s2 =	simm.s32 @!p0 $0x1C03  }
0x8b: {  	[timem:s3], [sflag:s2] =	dma.local @!p0 [hbm:s0], s1  }
0x8c: {  	s0 =	simm.s32 @!p0 $0x3  }
0x8d: {  	_ =	swait.ge @!p0 [sflag:s0], s1  }
0x8e: {  	s1 =	ssub.s32 @!p0 $0x0, s1;
	[sflag:s0] =	ssyncset.done @!p0 $0x0  }
0x8f: {  	[sflag:s0] =	ssyncadd.s32 @!p0 s1  }
0x90: {  	[bflag:$0x3] =	sbarrier.arrive $0xFFFF  }
0x91: {  	_ =	shalt  }

// kernel: kernel.7.cloned.1.call-start
scs
__scs_entry_jumppad:
0x0: {  	(pc) =	sbr.rel $0x88, $3  }
0x1: {  	(tag) =	ssettag $0x0;
	lr =	simm.s32 $0x1  }
0x2: {  	[smem:$0x3F99] =	sst lr;
	_ =	strace $0xD0000000  }
0x3: {  	_ = 	snop  }
0x4: {  	_ = 	snop  }
0x5: {  	_ = 	snop  }
0x6: {  	_ = 	snop  }
0x7: {  	_ = 	snop  }
__scs_overlays_trampoline_lowered:
0x8: {  	[smem:$0x3FA8] =	sst s0  }
0x9: {  	[smem:$0x3FA9] =	sst s1  }
0xa: {  	[smem:$0x3FAA] =	sst s2  }
0xb: {  	[smem:$0x3FAB] =	sst s3  }
0xc: {  	[smem:$0x3FAC] =	sst s4  }
0xd: {  	[smem:$0x3FAD] =	sst s5  }
0xe: {  	[smem:$0x3FAE] =	sst s6  }
0xf: {  	[smem:$0x3FAF] =	sst s7  }
0x10: {  	[smem:$0x3FB0] =	sst s8  }
0x11: {  	[smem:$0x3FB1] =	sst s9;
	s0 =	simm.s32 @!p0 $0x0  }
0x12: {  	s1 =	sld [smem:$0x3F97];
	s0 =	simm.s32 @p0 $0x1  }
0x13: {  	[smem:$0x3FB2] =	sst s0;
	s0 =	simm.s32 @!p1 $0x0  }
0x14: {  	s2 =	sld [smem:$0x3F96];
	s0 =	simm.s32 @p1 $0x1  }
0x15: {  	[smem:$0x3FB3] =	sst s0;
	s0 =	simm.s32 @!p2 $0x0  }
0x16: {  	s3 =	sld [smem:$0x3FDB];
	s0 =	simm.s32 @p2 $0x1  }
0x17: {  	s4 =	simm.s32 $0x1BF5;
	[smem:$0x3FB5] =	sst s0  }
0x18: {  	s0 =	sld [smem:$0x3F98];
	_ =	swait.ge [sflag:s4], $0x0  }
0x19: {  	s7 =	sld [smem:$0x3F99]  }
0x1a: {  	s8 =	sadd.s32 $0xFFFFE003, lr  }
0x1b: {  	s9 =	sadd.s32 $0xFFFFFEF7, lr;
	s5 =	simm.s32 $0xFFFFFFFF;
	p2 =	slt.u32 s8, $0xFFFFF086  }
0x1c: {  	p1 =	slt.u32 s9, $0xF7A;
	s5 =	simm.s32 @!p2 $0x0  }
0x1d: {  	s5 =	simm.s32 @p1 $0x1;
	p0 =	seq.s32 s7, s2  }
0x1e: {  	s7 =	smul.u32 @!p0 $0xF7A, s2;
	p2 =	seq.s32 @!p0 s5, $0x0  }
0x1f: {  	s9 =	smul.u32 $0xF7A, s1;
	s8 =	simm.s32 @!p0 $0x1BF5;
	p2 =	por !p2, p0  }
0x20: {  	[sflag:s8] =	ssyncset.s32 @!p0 $0xFFFFF086;
	s6 =	sadd.s32 @!p0 s3, s7;
	s7 =	simm.s32 @!p0 $0x108  }
0x21: {  	s3 =	sadd.s32 s3, s9;
	s6 =	sadd.s32 @!p0 $0x88, s6;
	s7 =	simm.s32 @p2 $0x1082  }
0x22: {  	[simem:s7], [sflag:s8] =	dma.local @!p0 [hbm:s6], $0xF7A  }
0x23: {  	s9 =	sor.u32 $0xD0000000, s2;
	s6 =	simm.s32 $0x108;
	_ =	swait.ge @!p0 [sflag:s8], $0x0  }
0x24: {  	s3 =	sadd.s32 $0x88, s3;
	s6 =	simm.s32 @!p1 $0x1082;
	[sflag:s4] =	ssyncset.s32 $0xFFFFF086  }
0x25: {  	[simem:s6], [sflag:s4] =	dma.local [hbm:s3], $0xF7A  }
0x26: {  	[smem:$0x3F99] =	sst s1;
	(tag) =	ssettag s2;
	_ =	strace s9  }
0x27: {  	s1 =	sld [smem:$0x3FA9]  }
0x28: {  	s2 =	sld [smem:$0x3FAA]  }
0x29: {  	s4 =	sld [smem:$0x3FAC]  }
0x2a: {  	p0 =	seq.s32 s5, $0x0;
	s5 =	sld [smem:$0x3FAD]  }
0x2b: {  	s6 =	sld [smem:$0x3FAE]  }
0x2c: {  	s7 =	sld [smem:$0x3FAF]  }
0x2d: {  	s3 =	simm.s32 $0x108;
	s8 =	sld [smem:$0x3FB0]  }
0x2e: {  	s3 =	simm.s32 @!p0 $0x1082;
	s9 =	sld [smem:$0x3FB1]  }
0x2f: {  	lr =	sadd.s32 s0, s3;
	s0 =	sld [smem:$0x3FA8]  }
0x30: {  	s3 =	sld [smem:$0x3FAB]  }
0x31: {  	[smem:$0x3FB4] =	sst s10  }
0x32: {  	s10 =	sld [smem:$0x3FB2];
	_ =	sdelay $0x3  }
0x33: {  	p0 =	seq.s32 s10, $0x1;
	s10 =	sld [smem:$0x3FB4];
	_ =	sdelay $0x3  }
0x34: {  	[smem:$0x3FB4] =	sst s10  }
0x35: {  	s10 =	sld [smem:$0x3FB3];
	_ =	sdelay $0x3  }
0x36: {  	p1 =	seq.s32 s10, $0x1;
	s10 =	sld [smem:$0x3FB4];
	_ =	sdelay $0x3  }
0x37: {  	[smem:$0x3FB4] =	sst s10  }
0x38: {  	s10 =	sld [smem:$0x3FB5]  }
0x39: {  	_ = 	snop;
	(pc) =	sbr.ind lr, $3  }
0x3a: {  	_ = 	snop  }
0x3b: {  	_ = 	snop  }
0x3c: {  	p2 =	seq.s32 s10, $0x1;
	s10 =	sld [smem:$0x3FB4]  }
0x3d: {  	_ =	shalt  }
0x3e: {  	_ =	shalt  }
0x3f: {  	_ =	shalt  }
0x40: {  	_ =	shalt  }
0x41: {  	_ =	shalt  }
0x42: {  	_ =	shalt  }
0x43: {  	_ =	shalt  }
0x44: {  	_ =	shalt  }
0x45: {  	_ =	shalt  }
0x46: {  	_ =	shalt  }
0x47: {  	_ =	shalt  }
0x48: {  	_ =	shalt  }
0x49: {  	_ =	shalt  }
0x4a: {  	_ =	shalt  }
0x4b: {  	_ =	shalt  }
0x4c: {  	_ =	shalt  }
0x4d: {  	_ =	shalt  }
0x4e: {  	_ =	shalt  }
0x4f: {  	_ =	shalt  }
0x50: {  	_ =	shalt  }
0x51: {  	_ =	shalt  }
0x52: {  	_ =	shalt  }
0x53: {  	_ =	shalt  }
0x54: {  	_ =	shalt  }
0x55: {  	_ =	shalt  }
0x56: {  	_ =	shalt  }
0x57: {  	_ =	shalt  }
0x58: {  	_ =	shalt  }
0x59: {  	_ =	shalt  }
0x5a: {  	_ =	shalt  }
0x5b: {  	_ =	shalt  }
0x5c: {  	_ =	shalt  }
0x5d: {  	_ =	shalt  }
0x5e: {  	_ =	shalt  }
0x5f: {  	_ =	shalt  }
0x60: {  	_ =	shalt  }
0x61: {  	_ =	shalt  }
0x62: {  	_ =	shalt  }
0x63: {  	_ =	shalt  }
0x64: {  	_ =	shalt  }
0x65: {  	_ =	shalt  }
0x66: {  	_ =	shalt  }
0x67: {  	_ =	shalt  }
0x68: {  	_ =	shalt  }
0x69: {  	_ =	shalt  }
0x6a: {  	_ =	shalt  }
0x6b: {  	_ =	shalt  }
0x6c: {  	_ =	shalt  }
0x6d: {  	_ =	shalt  }
0x6e: {  	_ =	shalt  }
0x6f: {  	_ =	shalt  }
0x70: {  	_ =	shalt  }
0x71: {  	_ =	shalt  }
0x72: {  	_ =	shalt  }
0x73: {  	_ =	shalt  }
0x74: {  	_ =	shalt  }
0x75: {  	_ =	shalt  }
0x76: {  	_ =	shalt  }
0x77: {  	_ =	shalt  }
0x78: {  	_ =	shalt  }
0x79: {  	_ =	shalt  }
0x7a: {  	_ =	shalt  }
0x7b: {  	_ =	shalt  }
0x7c: {  	_ =	shalt  }
0x7d: {  	_ =	shalt  }
0x7e: {  	_ =	shalt  }
0x7f: {  	_ =	shalt  }
0x80: {  	_ =	shalt  }
0x81: {  	_ =	shalt  }
0x82: {  	_ =	shalt  }
0x83: {  	_ =	shalt  }
0x84: {  	_ =	shalt  }
0x85: {  	_ =	shalt  }
0x86: {  	_ =	shalt  }
0x87: {  	_ =	shalt  }
.Lfunc_end0:
.L_simem_size_0:
called_computation_lowered:
.L_overlay_start_0:
0x88: {  	s2 =	sld [smem:$0x3FD9]  }
0x89: {  	s3 =	sld [smem:$0x3FFE];
	_ =	sdelay $0x1  }
0x8a: {  	s1 =	srdreg.scid  }
0x8b: {  	s0 =	sand.u32 $0x1, s1  }
0x8c: {  	s17 =	sshll.u32 s0, $0xA;
	s2 =	sadd.s32 s3, s2  }
0x8d: {  	s2 =	sadd.s32 s2, s17  }
0x8e: {  	[smem:$0x3FC0] =	sst s2  }
0x8f: {  	_ = 	snop  }
0x90: {  	s2 =	sld [smem:$0x3FD0];
	(tm) =	ssettm $0x1  }
0x91: {  	s18 =	sld [smem:$0x3FFB];
	_ =	sdelay $0x3  }
0x92: {  	_ =	strace s18  }
0x93: {  	s3 =	sld [smem:$0x3FFC];
	_ =	sdelay $0x3  }
0x94: {  	_ =	strace s3  }
0x95: {  	s3 =	sld [smem:$0x3FFD];
	_ =	sdelay $0x3  }
0x96: {  	_ =	strace s3  }
0x97: {  	_ =	strace $0x8FFFFFFF  }
0x98: {  	s19 =	sld [smem:$0x3FDB];
	_ =	sdelay $0x1  }
0x99: {  	s4 =	simm.s32 $_scs_section_size  }
0x9a: {  	s5 =	simm.s32 $_size__tile_overlayer_lowered;
	s6 =	simm.s32 $_tile_overlayer_lowered  }
0x9b: {  	s22 =	simm.s32 $0x1BFF;
	s21 =	sshll.u32 s6, $0x1;
	s3 =	sadd.s32 s4, s19  }
0x9c: {  	s7 =	simm.s32 $0x0;
	s20 =	sshll.u32 s5, $0x1;
	s5 =	sadd.s32 s21, s3  }
0x9d: {  	[timem:s7], [sflag:s22] =	dma.local [hbm:s5], s20  }
0x9e: {  	_ =	swait.ge [sflag:s22], s20  }
0x9f: {  	s4 =	ssub.s32 $0x0, s20;
	[sflag:s22] =	ssyncset.done $0x0  }
0xa0: {  	[sflag:s22] =	ssyncadd.s32 s4;
	_ =	sdelay $0x1  }
0xa1: {  	s23 =	simm.s32 $0x1B8B  }
0xa2: {  	_ =	swait.ge [sflag:s23], $0x1  }
0xa3: {  	[sflag:s23] =	ssyncset.done $0x0  }
0xa4: {  	s25 =	simm.s32 $0x1B8E;
	s24 =	sld [smem:$0x3FFE];
	[sflag:s23] =	ssyncadd.s32 $0xFFFFFFFF  }
0xa5: {  	s26 =	simm.s32 $execute0_lowered;
	[smem:$0x3FD2] =	sst s25  }
0xa6: {  	s5 =	sshll.u32 s26, $0x1;
	_ =	strace $0x80000046;
	[dreg:$0x1] =	wrdreg $0xFFFFFFFF  }
0xa7: {  	s28 =	simm.s32 $_size_execute0_lowered;
	s3 =	sadd.s32 s3, s5;
	[dreg:$0x0] =	wrdreg $0x0  }
0xa8: {  	s5 =	sshll.u32 s28, $0x1;
	[dreg:$0x2] =	wrdreg s3  }
0xa9: {  	[dreg:$0x3] =	wrdreg s5  }
0xaa: {  	[dreg:$0x4] =	wrdreg $0xC0  }
0xab: {  	_ =	task [dreg:s7], $0x5FFFF  }
0xac: {  	[dreg:$0x1] =	wrdreg $0xFFFFFFFF  }
0xad: {  	[dreg:$0x0] =	wrdreg $0x60  }
0xae: {  	[dreg:$0x2] =	wrdreg s24  }
0xaf: {  	[dreg:$0x3] =	wrdreg s2  }
0xb0: {  	[dreg:$0x4] =	wrdreg $0xA9000  }
0xb1: {  	[dreg:$0x5] =	wrdreg $0x9  }
0xb2: {  	_ =	task.clear_ibuf [dreg:s7], $0x6FFFF;
	_ =	strace $0x90000046  }
0xb3: {  	s29 =	simm.s32 $0x9;
	_ =	strace $0x80000048  }
0xb4: {  	_ =	swait.ge [sflag:s29], $0x1  }
0xb5: {  	[sflag:s29] =	ssyncadd.s32 $0xFFFFFFFF  }
0xb6: {  	_ =	strace $0x90000048  }
0xb7: {  	_ =	sfence  }
0xb8: {  	s30 =	sld [smem:$0x0];
	_ =	sdelay $0x2  }
0xb9: {  	s31 =	sshll.u32 s1, $0xD;
	s1 =	sshrl.u32 s1, $0x2  }
0xba: {  	s3 =	sand.u32 $0x4000, s31;
	s1 =	sadd.s32 s1, s30  }
0xbb: {  	s0 =	sor.u32 s3, s0;
	s1 =	sshll.u32 s1, $0x11  }
0xbc: {  	s0 =	sor.u32 s1, s0  }
0xbd: {  	s0 =	sadd.s32 $0x8F2B, s0  }
0xbe: {  	[sflag:s0] =	ssyncadd.remote.s32 $0x1  }
0xbf: {  	_ =	sfence.sel $0xFFFF  }
0xc0: {  	[dreg:$0x0] =	wrdreg $0xFFFFFFFF;
	(pc) =	sbr.abs _section_cstart, $3  }
0xc1: {  	[dreg:$0x1] =	wrdreg $0xFFFFFFFF  }
0xc2: {  	_ =	task.clear_ibuf [dreg:s7], $0x2FFFF;
	_ =	strace $0x9FFFFFFF  }
0xc3: {  	(tm) =	ssettm $0x7FFFFFFF  }
tec
execute0_lowered:
.L_overlay_start_1:
0x0: {  	(tag) =	ssettag $0x1  }
0x1: {  	s0 =	srdreg.scid;
	s7 =	rddreg [dreg:$0x0]  }
0x2: {  	s26 =	stileid.u32;
	s2 =	rddreg [dreg:$0x1];
	s5 =	simm.s32 $0x0  }
0x3: {  	s18 =	simm.s32 $0x2900;
	s19 =	simm.s32 $0x3;
	s20 =	simm.s32 $0x2  }
0x4: {  	s21 =	simm.s32 $0x80;
	s22 =	simm.s32 $0x1;
	s23 =	simm.s32 $0x6900  }
0x5: {  	s25 =	simm.s32 $0x4;
	s28 =	simm.s32 $0x0;
	s9 =	smul.u32 $0x14000, s26  }
0x6: {  	s1 =	sand.u32 $0x1, s0;
	[smem:$0x7FF] =	sst s5;
	s29 =	smul.u32 $0x50000, s26  }
0x7: {  	s6 =	sadd.s32 $0x2400, s7;
	s3 =	sshll.u32 s1, $0x4;
	s8 =	smul.u32 $0x140000, s1  }
0x8: {  	s1 =	ssub.s32 $0x2, s1;
	s4 =	sor.u32 s26, s3;
	s3 =	rddreg [dreg:$0x2]  }
0x9: {  	_ =	strace $0x80000047;
	s12 =	sshrl.u32 s1, $0x1;
	s4 =	smul.u32 $0x2800, s4  }
0xa: {  	s30 =	sshrl.u32 s29, $0x2;
	s8 =	sadd.s32 s9, s8;
	s1 =	ssub.s32 s1, s12  }
0xb: {  	s8 =	sshrl.u32 s8, $0x3;
	s12 =	smax.u32 s1, $0x1;
	s10 =	sshrl.u32 s4, $0x3  }
0xc: {  	s13 =	sadd.s32 s8, s7;
	s8 =	sadd.s32 s30, s3;
	s11 =	sadd.s32 s10, s7  }
0xd: {  	s9 =	sadd.s32 s2, s10;
	s14 =	sadd.s32 $0x8000, s8;
	s15 =	sadd.s32 $0xC000, s8  }
0xe: {  	s16 =	sadd.s32 $0x10000, s8;
	s31 =	sadd.s32 $0x2A400, s11;
	s10 =	sadd.s32 $0x10, s9  }
0xf: {  	v0 =	vimm.f32 $0.0e+00;
	s11 =	sadd.s32 $0x34400, s13;
	s13 =	sadd.s32 $0x4000, s8;
	[dreg:$0x4] =	wrdreg s31  }
.LBB2_1:
0x10: {  	s0 =	rddreg [dreg:$0x4];
	s1 =	simm.s32 $0x100  }
0x11: {  	[tilespmem:s1], [sflag:$0x2] =	stream.linear.gather [hbm4b:s0+s5], $0x2800, $0x38;
	[tilespmem:$0x1E900] =	vst v63  }
0x12: {  	s29 =	simm.s32 $0x200;
	s1 =	simm.s32 $0x0  }
.LBB2_2:
0x13: {  	p0 =	sne.s32 s29, $0xFE00;
	[tilespmem:s1+$0x2970] =	vst v0  }
0x14: {  	[tilespmem:s1+$0x2900] =	vst v0  }
0x15: {  	[tilespmem:s1+$0x2910] =	vst v0  }
.Ltmp0:
0x16: {  	[tilespmem:s1+$0x2920] =	vst v0;
	(pc) =	sbr.rel @p0 .LBB2_2-.Ltmp0, $4  }
0x17: {  	[tilespmem:s1+$0x2930] =	vst v0  }
0x18: {  	[tilespmem:s1+$0x2940] =	vst v0  }
0x19: {  	[tilespmem:s1+$0x2950] =	vst v0  }
0x1a: {  	[tilespmem:s1+$0x2960] =	vst v0;
	s1 =	sshra.s32 s29, $0x2;
	s29 =	sadd.s32 $0x200, s29  }
0x1b: {  	[tilespmem:s1+$0x2970] =	vst v0  }
0x1c: {  	[tilespmem:s1+$0x2900] =	vst v0  }
0x1d: {  	[tilespmem:s1+$0x2910] =	vst v0  }
0x1e: {  	[tilespmem:s1+$0x2920] =	vst v0  }
0x1f: {  	[tilespmem:s1+$0x2930] =	vst v0  }
0x20: {  	[tilespmem:s1+$0x2940] =	vst v0  }
0x21: {  	[tilespmem:s1+$0x2950] =	vst v0  }
0x22: {  	[tilespmem:s1+$0x2960] =	vst v0  }
0x23: {  	[spmem:s8] =	stream.linear.scatter [tilespmem:s18], [sflag:$0x3], $0x4000, $0x38;
	[tilespmem:$0x1E900] =	vst v63  }
0x24: {  	_ =	swait.ge [sflag:s19], $0x4000  }
0x25: {  	[sflag:s19] =	ssyncset.done $0x0  }
0x26: {  	[sflag:s19] =	ssyncadd.s32 $0xFFFFC000  }
0x27: {  	[spmem:s13] =	stream.linear.scatter [tilespmem:s18], [sflag:$0x3], $0x4000, $0x38;
	[tilespmem:$0x1E900] =	vst v63  }
0x28: {  	_ =	swait.ge [sflag:s19], $0x4000  }
0x29: {  	[sflag:s19] =	ssyncset.done $0x0  }
0x2a: {  	[sflag:s19] =	ssyncadd.s32 $0xFFFFC000  }
0x2b: {  	[spmem:s14] =	stream.linear.scatter [tilespmem:s18], [sflag:$0x3], $0x4000, $0x38;
	[tilespmem:$0x1E900] =	vst v63  }
0x2c: {  	_ =	swait.ge [sflag:s19], $0x4000  }
0x2d: {  	[sflag:s19] =	ssyncset.done $0x0  }
0x2e: {  	[sflag:s19] =	ssyncadd.s32 $0xFFFFC000  }
0x2f: {  	[spmem:s15] =	stream.linear.scatter [tilespmem:s18], [sflag:$0x3], $0x4000, $0x38;
	[tilespmem:$0x1E900] =	vst v63  }
0x30: {  	_ =	swait.ge [sflag:s19], $0x4000  }
0x31: {  	[sflag:s19] =	ssyncset.done $0x0  }
0x32: {  	[sflag:s19] =	ssyncadd.s32 $0xFFFFC000  }
0x33: {  	[spmem:s16] =	stream.linear.scatter [tilespmem:s18], [sflag:$0x3], $0x4000, $0x38;
	[tilespmem:$0x1E900] =	vst v63  }
0x34: {  	_ =	swait.ge [sflag:s19], $0x4000  }
0x35: {  	[sflag:s19] =	ssyncset.done $0x0  }
0x36: {  	[sflag:s19] =	ssyncadd.s32 $0xFFFFC000  }
0x37: {  	_ =	swait.ge [sflag:s20], $0x2800  }
0x38: {  	[sflag:s20] =	ssyncset.done $0x0  }
0x39: {  	[sflag:s20] =	ssyncadd.s32 $0xFFFFD800  }
0x3a: {  	s0 =	simm.s32 $0x0;
	[bflag:$0x0] =	sbarrier.arrive $0xFFFF  }
0x3b: {  	[tilespmem:s0], [sflag:$0x2] =	stream.linear.gather [hbm4b:s9+s0], $0x80, $0x38;
	[tilespmem:$0x1E900] =	vst v63  }
0x3c: {  	_ =	swait.ge [sflag:s20], $0x80  }
0x3d: {  	[sflag:s20] =	ssyncset.done $0x0  }
0x3e: {  	[sflag:s20] =	ssyncadd.s32 $0xFFFFFF80  }
0x3f: {  	[tilespmem:s18], [sflag:$0x1] =	stream.indirect.gather [hbm4b:s6+s21], $0x80, s0, s21, $0xb8;
	[tilespmem:$0x1E900] =	vst v63  }
0x40: {  	s29 =	simm.s32 $0x100;
	s1 =	sand.u32 $0x1, s0  }
0x41: {  	[tilespmem:s21], [sflag:$0x2] =	stream.linear.gather [hbm4b:s10+s0], $0x80, $0x38;
	[tilespmem:$0x1E900] =	vst v63  }
0x42: {  	s30 =	sand.u32 $0x380, s29;
	s31 =	sand.u32 $0x7C00, s29;
	_ =	swait.ge [sflag:s20], $0x80  }
0x43: {  	p0 =	seq.s32 s1, $0x0;
	s7 =	sadd.s32 s4, s31;
	[sflag:s20] =	ssyncset.done $0x0  }
0x44: {  	s17 =	simm.s32 @p0 $0x6900;
	s0 =	simm.s32 @p0 $0x80;
	[sflag:s20] =	ssyncadd.s32 $0xFFFFFF80  }
0x45: {  	[tilespmem:s17], [sflag:$0x1] =	stream.indirect.gather @p0 [hbm4b:s6+s0], $0x80, s0, s0, $0xb8;
	[tilespmem:$0x1E900] =	vst v63  }
0x46: {  	s24 =	simm.s32 @!p0 $0x2900;
	s31 =	simm.s32 @!p0 $0x0;
	s17 =	simm.s32 @!p0 $0x80  }
0x47: {  	[tilespmem:s24], [sflag:$0x1] =	stream.indirect.gather @!p0 [hbm4b:s6+s17], $0x80, s31, s17, $0xb8;
	[tilespmem:$0x1E900] =	vst v63  }
0x48: {  	s0 =	sor.u32 s30, s7;
	_ =	swait.ge [sflag:s22], $0x4000  }
0x49: {  	s26 =	sshll.u32 s1, $0x7;
	s0 =	sshrl.u32 s0, $0x3;
	[sflag:s22] =	ssyncset.done $0x0  }
0x4a: {  	s0 =	sadd.s32 s2, s0;
	p0 =	sne.s32 s1, $0x0;
	[sflag:s22] =	ssyncadd.s32 $0xFFFFC000  }
0x4b: {  	[tilespmem:s26], [sflag:$0x2] =	stream.linear.gather [hbm4b:s0+s5], $0x80, $0x38;
	[tilespmem:$0x1E900] =	vst v63  }
0x4c: {  	s1 =	simm.s32 @p0 $0x6900;
	s0 =	simm.s32 @p0 $0x80  }
0x4d: {  	[spmem:s3] =	stream.indirect.scatter.add.f32 @p0 [tilespmem:s1], [sflag:$0x3], $0x80, s29, s0, $0xb8;
	[tilespmem:$0x1E900] =	vst v63  }
0x4e: {  	s0 =	simm.s32 @!p0 $0x80;
	s1 =	simm.s32 @!p0 $0x2900  }
0x4f: {  	[spmem:s3] =	stream.indirect.scatter.add.f32 @!p0 [tilespmem:s1], [sflag:$0x4], $0x80, s29, s0, $0xb8;
	[tilespmem:$0x1E900] =	vst v63  }
0x50: {  	s1 =	simm.s32 @!p0 $0x4  }
0x51: {  	s30 =	simm.s32 $0x180;
	s31 =	simm.s32 $0x1;
	s1 =	simm.s32 @p0 $0x3  }
.LBB2_4:
0x52: {  	_ =	swait.ge [sflag:s1], $0x4000  }
0x53: {  	s29 =	sadd.s32 $0x80, s29;
	s0 =	smov.u32 s30;
	s30 =	sadd.s32 $0x80, s30  }
0x54: {  	p0 =	sne.s32 s30, $0x2800;
	[sflag:s1] =	ssyncset.done $0x0  }
0x55: {  	s17 =	sand.u32 $0x1, s31;
	s24 =	sand.u32 $0x380, s0;
	[sflag:s1] =	ssyncadd.s32 $0xFFFFC000  }
0x56: {  	p1 =	seq.s32 s17, $0x0;
	s0 =	sand.u32 $0x7C00, s0;
	_ =	swait.ge [sflag:s20], $0x80  }
0x57: {  	s1 =	simm.s32 @p1 $0x80;
	s26 =	simm.s32 @p1 $0x6900;
	[sflag:s20] =	ssyncset.done $0x0  }
0x58: {  	s7 =	simm.s32 @!p1 $0x2900;
	s0 =	sadd.s32 s4, s0;
	[sflag:s20] =	ssyncadd.s32 $0xFFFFFF80  }
0x59: {  	[tilespmem:s26], [sflag:$0x1] =	stream.indirect.gather @p1 [hbm4b:s6+s1], $0x80, s1, s1, $0xb8;
	[tilespmem:$0x1E900] =	vst v63  }
0x5a: {  	s0 =	sor.u32 s24, s0;
	s1 =	simm.s32 @!p1 $0x80;
	s26 =	simm.s32 @!p1 $0x0  }
0x5b: {  	[tilespmem:s7], [sflag:$0x1] =	stream.indirect.gather @!p1 [hbm4b:s6+s1], $0x80, s26, s1, $0xb8;
	[tilespmem:$0x1E900] =	vst v63  }
0x5c: {  	s0 =	sshrl.u32 s0, $0x3;
	_ =	swait.ge [sflag:s22], $0x4000  }
0x5d: {  	s0 =	sadd.s32 s2, s0;
	s7 =	sshll.u32 s17, $0x7;
	[sflag:s22] =	ssyncset.done $0x0  }
0x5e: {  	p1 =	sne.s32 s17, $0x0;
	[sflag:s22] =	ssyncadd.s32 $0xFFFFC000  }
0x5f: {  	s17 =	simm.s32 @p1 $0x80;
	s24 =	simm.s32 @p1 $0x6900;
	s1 =	simm.s32 @!p1 $0x4  }
0x60: {  	[tilespmem:s7], [sflag:$0x2] =	stream.linear.gather [hbm4b:s0+s5], $0x80, $0x38;
	[tilespmem:$0x1E900] =	vst v63  }
.Ltmp1:
0x61: {  	_ = 	snop;
	(pc) =	sbr.rel @p0 .LBB2_4-.Ltmp1, $4  }
0x62: {  	s0 =	simm.s32 @!p1 $0x80;
	s7 =	simm.s32 @!p1 $0x2900  }
0x63: {  	[spmem:s3] =	stream.indirect.scatter.add.f32 @p1 [tilespmem:s24], [sflag:$0x3], $0x80, s29, s17, $0xb8;
	[tilespmem:$0x1E900] =	vst v63  }
0x64: {  	s31 =	sadd.s32 $0x1, s31;
	s1 =	simm.s32 @p1 $0x3  }
0x65: {  	[spmem:s3] =	stream.indirect.scatter.add.f32 @!p1 [tilespmem:s7], [sflag:$0x4], $0x80, s29, s0, $0xb8;
	[tilespmem:$0x1E900] =	vst v63  }
0x66: {  	_ =	swait.ge [sflag:s1], $0x4000  }
0x67: {  	[sflag:s1] =	ssyncset.done $0x0  }
0x68: {  	[sflag:s1] =	ssyncadd.s32 $0xFFFFC000  }
0x69: {  	_ =	swait.ge [sflag:s20], $0x80  }
0x6a: {  	[sflag:s20] =	ssyncset.done $0x0  }
0x6b: {  	[sflag:s20] =	ssyncadd.s32 $0xFFFFFF80  }
0x6c: {  	[tilespmem:s23], [sflag:$0x1] =	stream.indirect.gather [hbm4b:s6+s21], $0x80, s21, s21, $0xb8;
	[tilespmem:$0x1E900] =	vst v63  }
0x6d: {  	_ =	swait.ge [sflag:s22], $0x4000  }
0x6e: {  	[sflag:s22] =	ssyncset.done $0x0  }
0x6f: {  	s0 =	simm.s32 $0x2800;
	[sflag:s22] =	ssyncadd.s32 $0xFFFFC000  }
0x70: {  	[spmem:s3] =	stream.indirect.scatter.add.f32 [tilespmem:s18], [sflag:$0x4], $0x80, s0, s21, $0xb8;
	[tilespmem:$0x1E900] =	vst v63  }
0x71: {  	_ =	swait.ge [sflag:s25], $0x4000  }
0x72: {  	[sflag:s25] =	ssyncset.done $0x0  }
0x73: {  	[sflag:s25] =	ssyncadd.s32 $0xFFFFC000  }
0x74: {  	_ =	swait.ge [sflag:s22], $0x4000  }
0x75: {  	[sflag:s22] =	ssyncset.done $0x0  }
0x76: {  	s29 =	simm.s32 $0x2880;
	[sflag:s22] =	ssyncadd.s32 $0xFFFFC000  }
0x77: {  	[spmem:s3] =	stream.indirect.scatter.add.f32 [tilespmem:s23], [sflag:$0x3], $0x80, s29, s21, $0xb8;
	[tilespmem:$0x1E900] =	vst v63  }
0x78: {  	s30 =	stileid.u32;
	_ =	swait.ge [sflag:s19], $0x4000  }
0x79: {  	s31 =	sshrl.u32 s8, $0x3;
	s28 =	sadd.s32 $0x1, s28;
	[sflag:s19] =	ssyncset.done $0x0  }
0x7a: {  	p0 =	sne.s32 s28, s12;
	s0 =	sshll.u32 s30, $0x6;
	[sflag:s19] =	ssyncadd.s32 $0xFFFFC000  }
.Ltmp2:
0x7b: {  	s0 =	sor.u32 $0x1C03, s0;
	[bflag:$0x0] =	sbarrier.arrive $0xFFFF;
	(pc) =	sbr.rel @p0 .LBB2_1-.Ltmp2, $4  }
0x7c: {  	[hbm:s11], [sflag:s0] =	dma.local [spmem:s31], $0x2800  }
0x7d: {  	_ =	swait.ge [sflag:s19], $0x2800  }
0x7e: {  	[sflag:s19] =	ssyncset.done $0x0  }
0x7f: {  	[sflag:s19] =	ssyncadd.s32 $0xFFFFD800  }
0x80: {  	_ =	sfence.sel $0x180000  }
0x81: {  	[bflag:$0x0] =	sbarrier.arrive $0xFFFF  }
0x82: {  	_ =	strace $0x90000047  }
0x83: {  	s0 =	stileid.u32;
	[bflag:$0x2] =	sbarrier.arrive $0xFFFF  }
0x84: {  	p0 =	sne.s32 s0, $0x0;
	s0 =	rddreg [dreg:$0x3]  }
0x85: {  	s0 =	sadd.s32 @!p0 $0x100000, s0  }
0x86: {  	[sflag:s0] =	ssyncadd.tile.s32 @!p0 $0x1;
	_ =	shalt  }
.Lfunc_end2:
_tile_overlayer_lowered:
.L_overlay_start_2:
0x87: {  	(tag) =	ssettag $0x2  }
0x88: {  	s0 =	rddreg [dreg:$0x0];
	s2 =	stileid.u32  }
0x89: {  	s1 =	rddreg [dreg:$0x1];
	p0 =	sne.s32 s2, $0x0  }
0x8a: {  	s3 =	rddreg [dreg:$0x2];
	[bflag:$0x3] =	sbarrier.arrive $0xFFFF;
	s2 =	simm.s32 @!p0 $0x1C03  }
0x8b: {  	[timem:s3], [sflag:s2] =	dma.local @!p0 [hbm:s0], s1  }
0x8c: {  	s0 =	simm.s32 @!p0 $0x3  }
0x8d: {  	_ =	swait.ge @!p0 [sflag:s0], s1  }
0x8e: {  	s1 =	ssub.s32 @!p0 $0x0, s1;
	[sflag:s0] =	ssyncset.done @!p0 $0x0  }
0x8f: {  	[sflag:s0] =	ssyncadd.s32 @!p0 s1  }
0x90: {  	[bflag:$0x3] =	sbarrier.arrive $0xFFFF  }
0x91: {  	_ =	shalt  }

</sc_bundles>
